<compile_context>
chip_gen: v7x
topology: tpu7x:2x2x1
jax: 0.10.2.dev20260603
libtpu: 0.0.44.dev20260713+nightly
codegen_flags: <defaults>
</compile_context>

<pallas_src>
import functools

import jax
import jax.numpy as jnp
from jax import lax
from jax.experimental import pallas as pl
from jax.experimental.pallas import tpu as pltpu
from jax.experimental.pallas import tpu_sc as plsc

NC = 2
NS = 16
NW = NC * NS
L = 16

_EDGE_CHUNK = 100


def _sc_degree(dst, n_pad):
    E = dst.shape[0]
    ept = E // NW
    mesh = plsc.VectorSubcoreMesh(core_axis_name="c", subcore_axis_name="s")

    @functools.partial(
        pl.kernel,
        out_type=jax.ShapeDtypeStruct((NW, n_pad), jnp.float32),
        mesh=mesh,
        scratch_types=[
            pltpu.VMEM((ept,), jnp.int32),
            pltpu.VMEM((n_pad,), jnp.float32),
        ],
        compiler_params=pltpu.CompilerParams(
            needs_layout_passes=False, use_tc_tiling_on_sc=False),
    )
    def deg_kernel(dst_hbm, out_hbm, idx_v, deg_v):
        c = lax.axis_index("c")
        s = lax.axis_index("s")
        wid = c * NS + s

        zeros16 = jnp.zeros((L,), jnp.float32)

        def zbody(i, carry):
            deg_v[pl.ds(i * L, L)] = zeros16
            return carry

        lax.fori_loop(0, n_pad // L, zbody, 0)

        pltpu.sync_copy(dst_hbm.at[pl.ds(wid * ept, ept)], idx_v)

        ones16 = jnp.ones((L,), jnp.float32)

        def body(i, carry):
            idx = idx_v[pl.ds(i * L, L)]
            plsc.addupdate_scatter(deg_v, [idx], ones16)
            return carry

        lax.fori_loop(0, ept // L, body, 0)
        pltpu.sync_copy(deg_v, out_hbm.at[wid])

    return deg_kernel(dst)


def _tc_scaled_matmul(x, W1, deg_parts, n_pad):
    F = x.shape[1]
    H = W1.shape[1]
    R = 5120

    def body(x_ref, w_ref, deg_ref, out_ref):
        deg = jnp.sum(deg_ref[...], axis=0) + 1.0
        dis = lax.rsqrt(deg)
        h = jnp.dot(x_ref[...], w_ref[...], preferred_element_type=jnp.float32)
        out_ref[...] = h * dis[:, None]

    return pl.pallas_call(
        body,
        grid=(n_pad // R,),
        in_specs=[
            pl.BlockSpec((R, F), lambda i: (i, 0)),
            pl.BlockSpec((F, H), lambda i: (0, 0)),
            pl.BlockSpec((NW, R), lambda i: (0, i)),
        ],
        out_specs=pl.BlockSpec((R, H), lambda i: (i, 0)),
        out_shape=jax.ShapeDtypeStruct((n_pad, H), jnp.float32),
    )(x, W1, deg_parts)


def _sc_gather_scatter_add(g, src4, dst4, n_pad):
    _, P, n_chunk, C = src4.shape
    H = g.shape[1]
    rpt = n_pad // NS
    mesh = plsc.VectorSubcoreMesh(core_axis_name="c", subcore_axis_name="s")

    @functools.partial(
        pl.kernel,
        out_type=jax.ShapeDtypeStruct((NC, n_pad, H), jnp.float32),
        mesh=mesh,
        scratch_types=[
            pltpu.VMEM((n_chunk, C), jnp.int32),
            pltpu.VMEM((n_chunk, C), jnp.int32),
            pltpu.VMEM((C, H), jnp.float32),
            pltpu.VMEM((C, H), jnp.float32),
            pltpu.VMEM((C, H), jnp.float32),
            pltpu.VMEM_SHARED((n_pad, H), jnp.float32),
            pltpu.SemaphoreType.DMA,
            pltpu.SemaphoreType.DMA,
            pltpu.SemaphoreType.DMA,
            pltpu.SemaphoreType.DMA,
            pltpu.SemaphoreType.DMA,
            pltpu.SemaphoreType.DMA,
        ],
        compiler_params=pltpu.CompilerParams(
            needs_layout_passes=False, use_tc_tiling_on_sc=False),
    )
    def gs_kernel(g_hbm, src_hbm, dst_hbm, out_hbm,
                  src_v, dst_v, rows0, rows1, rows2, acc_sh,
                  sg0, sg1, sg2, ss0, ss1, ss2):
        c = lax.axis_index("c")
        s = lax.axis_index("s")
        wid = c * NS + s

        zeros16 = jnp.zeros((L,), jnp.float32)

        def zrow(i, carry):
            def zcol(j, inner):
                rows0[i, pl.ds(j * L, L)] = zeros16
                return inner
            return lax.fori_loop(0, H // L, zcol, carry)

        lax.fori_loop(0, C, zrow, 0)

        r0 = s * rpt

        def zfill(k, carry):
            pltpu.sync_copy(rows0, acc_sh.at[pl.ds(r0 + k * C, C), :])
            return carry

        nz = rpt // C
        lax.fori_loop(0, nz, zfill, 0)
        rz = rpt - nz * C
        pltpu.sync_copy(rows0.at[pl.ds(0, rz), :],
                        acc_sh.at[pl.ds(r0 + nz * C, rz), :])

        plsc.subcore_barrier()

        def gath(j, rows, sem):
            pltpu.async_copy(g_hbm.at[src_v.at[j]], rows, sem)

        def gwait(j, rows, sem):
            pltpu.make_async_copy(g_hbm.at[src_v.at[j]], rows, sem).wait()

        def scat(j, rows, sem):
            pltpu.async_copy(rows, acc_sh.at[dst_v.at[j]], sem, add=True)

        def swait(j, rows, sem):
            pltpu.make_async_copy(rows, acc_sh.at[dst_v.at[j]], sem).wait()

        def pass_body(p, pcarry):
            pltpu.sync_copy(src_hbm.at[wid, p], src_v)
            pltpu.sync_copy(dst_hbm.at[wid, p], dst_v)

            gath(0, rows0, sg0)
            gath(1, rows1, sg1)
            gath(2, rows2, sg2)
            gwait(0, rows0, sg0)
            scat(0, rows0, ss0)
            gwait(1, rows1, sg1)
            scat(1, rows1, ss1)
            swait(0, rows0, ss0)
            gath(3, rows0, sg0)

            last = n_chunk - 1

            def body(m, carry):
                k = 3 * m + 2
                gwait(k, rows2, sg2)
                scat(k, rows2, ss2)
                swait(k - 1, rows1, ss1)
                gath(jnp.minimum(k + 2, last), rows1, sg1)
                gwait(k + 1, rows0, sg0)
                scat(k + 1, rows0, ss0)
                swait(k, rows2, ss2)
                gath(jnp.minimum(k + 3, last), rows2, sg2)
                gwait(k + 2, rows1, sg1)
                scat(k + 2, rows1, ss1)
                swait(k + 1, rows0, ss0)
                gath(jnp.minimum(k + 4, last), rows0, sg0)
                return carry

            lax.fori_loop(0, (n_chunk - 2) // 3, body, 0)

            swait(last, rows1, ss1)
            gwait(last, rows2, sg2)
            gwait(last, rows0, sg0)
            return pcarry

        lax.fori_loop(0, P, pass_body, 0)

        plsc.subcore_barrier()

        pltpu.sync_copy(acc_sh.at[pl.ds(r0, rpt), :],
                        out_hbm.at[c, pl.ds(r0, rpt), :])

    return gs_kernel(g, src4, dst4)


def _tc_final(acc, g, deg_parts, b1, WfcT, bfc, n_out):
    H = g.shape[1]
    R = 5120

    def body(acc_ref, g_ref, deg_ref, b1_ref, w_ref, bfc_ref, out_ref):
        deg = jnp.sum(deg_ref[...], axis=0) + 1.0
        dis = lax.rsqrt(deg)
        t = (acc_ref[0] + acc_ref[1] + g_ref[...]) * dis[:, None] + b1_ref[...]
        out_ref[...] = (
            jnp.dot(t, w_ref[...], preferred_element_type=jnp.float32)
            + bfc_ref[...]
        )

    return pl.pallas_call(
        body,
        grid=((n_out + R - 1) // R,),
        in_specs=[
            pl.BlockSpec((NC, R, H), lambda i: (0, i, 0)),
            pl.BlockSpec((R, H), lambda i: (i, 0)),
            pl.BlockSpec((NW, R), lambda i: (0, i)),
            pl.BlockSpec((1, H), lambda i: (0, 0)),
            pl.BlockSpec((H, H), lambda i: (0, 0)),
            pl.BlockSpec((1, H), lambda i: (0, 0)),
        ],
        out_specs=pl.BlockSpec((R, H), lambda i: (i, 0)),
        out_shape=jax.ShapeDtypeStruct((n_out, H), jnp.float32),
    )(acc, g, deg_parts, b1, WfcT, bfc)


def kernel(x, edge_index, adj, W1, b1, Wfc, bfc):
    N, F = x.shape
    E = edge_index.shape[1]
    del adj

    src = edge_index[0].astype(jnp.int32)
    dst = edge_index[1].astype(jnp.int32)

    n_pad = ((N + NS * 32 - 1) // (NS * 32)) * (NS * 32)

    ept = E // NW
    P = 2
    n_chunk = ept // (P * _EDGE_CHUNK)
    src4 = src.reshape(NW, P, n_chunk, _EDGE_CHUNK)
    dst4 = dst.reshape(NW, P, n_chunk, _EDGE_CHUNK)

    deg_parts = _sc_degree(dst, n_pad)
    g = _tc_scaled_matmul(x, W1, deg_parts, n_pad)
    acc = _sc_gather_scatter_add(g, src4, dst4, n_pad)
    return _tc_final(acc, g, deg_parts, b1.reshape(1, -1), Wfc.T,
                     bfc.reshape(1, -1), N)

# --- scband reference (transcript-rebuilt; emitter-appended) ---
"""Pipeline reference for scband-gcn-2-12850542150399 (READ-ONLY COPY).

The authoritative reference and input builder live on the scoring server;
editing this copy changes nothing except your own understanding.
"""

import jax, jax.numpy as jnp
import numpy as np

N_NODES = 10000
N_EDGES = 320000
NFEAT = 128
NHID = 128


def setup_inputs(seed: int = 0) -> dict:
    key = jax.random.key(seed)
    k1, k2, k3, k4, k5, k6 = jax.random.split(key, 6)
    x = jax.random.normal(k1, (N_NODES, NFEAT), dtype=jnp.float32)
    edge_index = jax.random.randint(k2, (2, N_EDGES), 0, N_NODES, dtype=jnp.int64)
    adj = jnp.zeros((N_NODES,), dtype=jnp.float32)  # unused by forward, kept for signature parity
    # GCNConv weight (glorot) and bias
    lim1 = float(np.sqrt(6.0 / (NFEAT + NHID)))
    W1 = jax.random.uniform(k3, (NFEAT, NHID), minval=-lim1, maxval=lim1, dtype=jnp.float32)
    b1 = jnp.zeros((NHID,), dtype=jnp.float32)
    # fc Linear (xavier_uniform weight, zero bias per weights_init)
    lim2 = float(np.sqrt(6.0 / (NHID + NHID)))
    Wfc = jax.random.uniform(k4, (NHID, NHID), minval=-lim2, maxval=lim2, dtype=jnp.float32)
    bfc = jnp.zeros((NHID,), dtype=jnp.float32)
    return {"x": x, "edge_index": edge_index, "adj": adj, "W1": W1, "b1": b1, "Wfc": Wfc, "bfc": bfc}


def reference(x, edge_index, adj, W1, b1, Wfc, bfc):
    N = x.shape[0]
    src = edge_index[0]
    dst = edge_index[1]
    # add self loops (GCNConv default add_self_loops=True)
    loop = jnp.arange(N, dtype=src.dtype)
    src = jnp.concatenate([src, loop])
    dst = jnp.concatenate([dst, loop])
    # symmetric normalization
    deg = jnp.zeros((N,), dtype=jnp.float32).at[dst].add(1.0)
    deg_inv_sqrt = jnp.where(deg > 0, jax.lax.rsqrt(jnp.maximum(deg, 1e-12)), 0.0)
    norm = deg_inv_sqrt[src] * deg_inv_sqrt[dst]
    # linear transform then gather -> scale -> scatter-add aggregate at dst
    h = x @ W1
    msg = h[src] * norm[:, None]
    out = jnp.zeros((N, h.shape[1]), dtype=h.dtype).at[dst].add(msg)
    out = out + b1
    # fc layer
    out = out @ Wfc.T + bfc
    return out

if __name__ == "__main__":
    import jax
    _d = setup_inputs()
    print(jax.jit(kernel)(*tuple(_d.values())))

</pallas_src>

<mosaic_0001>
#map = affine_map<(d0, d1) -> (0)>
#map1 = affine_map<(d0, d1) -> (0, 0)>
module attributes {stable_mosaic.version = 14 : i64} {
  func.func @deg_kernel(%arg0: i32, %arg1: i32, %arg2: memref<320000xi32, #tpu.memory_space<hbm>>, %arg3: memref<32x10240xf32, #tpu.memory_space<hbm>>, %arg4: memref<10000xi32, #tpu.memory_space<vmem>>, %arg5: memref<10240xf32, #tpu.memory_space<vmem>>) attributes {dimension_semantics = [#tpu.dimension_semantics<core_parallel>, #tpu.dimension_semantics<subcore_parallel>], iteration_bounds = array<i64: 2, 16>, scalar_prefetch = 0 : i64, scratch_operands = 2 : i64, tpu.core_type = #tpu.core_type<sc_vector_subcore>, window_params = [{transform_indices = #map}, {transform_indices = #map1}]} {
    %mul3A = arith.constant 16 : i32
    %mul3A_0 = arith.muli %arg0, %mul3A : i32
    %add3A = arith.addi %mul3A_0, %arg1 : i32
    %broadcast_in_dim3A = arith.constant 0.000000e+00 : f32
    %broadcast_in_dim3A_1 = vector.broadcast %broadcast_in_dim3A : f32 to vector<16xf32>
    %scan3A = arith.constant 0 : i32
    %scan3A_2 = arith.constant 0 : i32
    %scan3A_3 = arith.constant 640 : i32
    %scan3A_4 = arith.addi %scan3A_2, %scan3A_3 : i32
    %scan3A_5 = arith.constant 1 : i32
    scf.for %scan3A_17 = %scan3A_2 to %scan3A_4 step %scan3A_5  : i32 {
      %mul3A_18 = arith.constant 16 : i32
      %mul3A_19 = arith.muli %scan3A_17, %mul3A_18 : i32
      %swap3A = arith.index_cast %mul3A_19 : i32 to index
      %swap3A_20 = tpu.vector_load %arg5[%swap3A] {strides = array<i32>} : memref<10240xf32, #tpu.memory_space<vmem>>, vector<16xf32>,
      tpu.vector_store %arg5[%swap3A], %broadcast_in_dim3A_1 {strides = array<i32>} : memref<10240xf32, #tpu.memory_space<vmem>>, vector<16xf32>,
    }
    %scan3A_6 = arith.constant 640 : i32
    %mul3A_7 = arith.constant 10000 : i32
    %mul3A_8 = arith.muli %add3A, %mul3A_7 : i32
    "tpu.region"() ({
      %run_scoped3A = tpu.sem_alloc : memref<!tpu.dma_semaphore, #tpu.memory_space<semaphore_mem>>
      %dma_start3A = tpu.memref_slice %arg2[%mul3A_8] : memref<320000xi32, #tpu.memory_space<hbm>> -> memref<10000xi32, #tpu.memory_space<hbm>>
      %dma_start3A_17 = tpu.memref_slice %arg2[%mul3A_8] : memref<320000xi32, #tpu.memory_space<hbm>> -> memref<10000xi32, #tpu.memory_space<hbm>>
      tpu.enqueue_dma source(%dma_start3A_17 : memref<10000xi32, #tpu.memory_space<hbm>>) target(%arg4 : memref<10000xi32, #tpu.memory_space<vmem>>) target_semaphore(%run_scoped3A : memref<!tpu.dma_semaphore, #tpu.memory_space<semaphore_mem>>)
      %dma_wait3A = tpu.memref_slice %arg2[%mul3A_8] : memref<320000xi32, #tpu.memory_space<hbm>> -> memref<10000xi32, #tpu.memory_space<hbm>>
      %dma_wait3A_18 = tpu.memref_slice %arg2[%mul3A_8] : memref<320000xi32, #tpu.memory_space<hbm>> -> memref<10000xi32, #tpu.memory_space<hbm>>
      tpu.wait_dma2 semaphore(%run_scoped3A : memref<!tpu.dma_semaphore, #tpu.memory_space<semaphore_mem>>) src(%dma_wait3A_18 : memref<10000xi32, #tpu.memory_space<hbm>>) dst(%arg4 : memref<10000xi32, #tpu.memory_space<vmem>>)
      tpu.yield
    }) : () -> ()
    %broadcast_in_dim3A_9 = arith.constant 1.000000e+00 : f32
    %broadcast_in_dim3A_10 = vector.broadcast %broadcast_in_dim3A_9 : f32 to vector<16xf32>
    %scan3A_11 = arith.constant 0 : i32
    %scan3A_12 = arith.constant 0 : i32
    %scan3A_13 = arith.constant 625 : i32
    %scan3A_14 = arith.addi %scan3A_12, %scan3A_13 : i32
    %scan3A_15 = arith.constant 1 : i32
    scf.for %scan3A_17 = %scan3A_12 to %scan3A_14 step %scan3A_15  : i32 {
      %mul3A_18 = arith.constant 16 : i32
      %mul3A_19 = arith.muli %scan3A_17, %mul3A_18 : i32
      %get3A = arith.index_cast %mul3A_19 : i32 to index
      %get3A_20 = tpu.vector_load %arg4[%get3A] {strides = array<i32>} : memref<10000xi32, #tpu.memory_space<vmem>>, vector<16xi32>,
      tpu.vector_store_idx %arg5[%get3A_20], %broadcast_in_dim3A_10 {add = true} : memref<10240xf32, #tpu.memory_space<vmem>>[vector<16xi32>], vector<16xf32>,
    }
    %scan3A_16 = arith.constant 625 : i32
    "tpu.region"() ({
      %run_scoped3A = tpu.sem_alloc : memref<!tpu.dma_semaphore, #tpu.memory_space<semaphore_mem>>
      %dma_start3A = arith.constant 0 : i32
      %dma_start3A_17 = tpu.memref_slice %arg3[%add3A, %dma_start3A] : memref<32x10240xf32, #tpu.memory_space<hbm>> -> memref<1x10240xf32, #tpu.memory_space<hbm>>
      %dma_start3A_18 = tpu.memref_squeeze %dma_start3A_17 : memref<1x10240xf32, #tpu.memory_space<hbm>> -> memref<10240xf32, #tpu.memory_space<hbm>>
      %dma_start3A_19 = arith.constant 0 : i32
      %dma_start3A_20 = tpu.memref_slice %arg3[%add3A, %dma_start3A_19] : memref<32x10240xf32, #tpu.memory_space<hbm>> -> memref<1x10240xf32, #tpu.memory_space<hbm>>
      %dma_start3A_21 = tpu.memref_squeeze %dma_start3A_20 : memref<1x10240xf32, #tpu.memory_space<hbm>> -> memref<10240xf32, #tpu.memory_space<hbm>>
      tpu.enqueue_dma source(%arg5 : memref<10240xf32, #tpu.memory_space<vmem>>) target(%dma_start3A_21 : memref<10240xf32, #tpu.memory_space<hbm>>) target_semaphore(%run_scoped3A : memref<!tpu.dma_semaphore, #tpu.memory_space<semaphore_mem>>)
      %dma_wait3A = arith.constant 0 : i32
      %dma_wait3A_22 = tpu.memref_slice %arg3[%add3A, %dma_wait3A] : memref<32x10240xf32, #tpu.memory_space<hbm>> -> memref<1x10240xf32, #tpu.memory_space<hbm>>
      %dma_wait3A_23 = tpu.memref_squeeze %dma_wait3A_22 : memref<1x10240xf32, #tpu.memory_space<hbm>> -> memref<10240xf32, #tpu.memory_space<hbm>>
      %dma_wait3A_24 = arith.constant 0 : i32
      %dma_wait3A_25 = tpu.memref_slice %arg3[%add3A, %dma_wait3A_24] : memref<32x10240xf32, #tpu.memory_space<hbm>> -> memref<1x10240xf32, #tpu.memory_space<hbm>>
      %dma_wait3A_26 = tpu.memref_squeeze %dma_wait3A_25 : memref<1x10240xf32, #tpu.memory_space<hbm>> -> memref<10240xf32, #tpu.memory_space<hbm>>
      tpu.wait_dma2 semaphore(%run_scoped3A : memref<!tpu.dma_semaphore, #tpu.memory_space<semaphore_mem>>) src(%arg5 : memref<10240xf32, #tpu.memory_space<vmem>>) dst(%dma_wait3A_26 : memref<10240xf32, #tpu.memory_space<hbm>>)
      tpu.yield
    }) : () -> ()
    return
  }
}

#map = affine_map<(d0, d1) -> (0, 0)>
#map1 = affine_map<(d0, d1) -> (0, 0, 0, 0)>
#map2 = affine_map<(d0, d1) -> (0, 0, 0)>
module attributes {stable_mosaic.version = 14 : i64} {
  func.func @gs_kernel(%arg0: i32, %arg1: i32, %arg2: memref<10240x128xf32, #tpu.memory_space<hbm>>, %arg3: memref<32x2x50x100xi32, #tpu.memory_space<hbm>>, %arg4: memref<32x2x50x100xi32, #tpu.memory_space<hbm>>, %arg5: memref<2x10240x128xf32, #tpu.memory_space<hbm>>, %arg6: memref<50x100xi32, #tpu.memory_space<vmem>>, %arg7: memref<50x100xi32, #tpu.memory_space<vmem>>, %arg8: memref<100x128xf32, #tpu.memory_space<vmem>>, %arg9: memref<100x128xf32, #tpu.memory_space<vmem>>, %arg10: memref<100x128xf32, #tpu.memory_space<vmem>>, %arg11: memref<10240x128xf32, #tpu.memory_space<vmem_shared>>, %arg12: memref<!tpu.dma_semaphore, #tpu.memory_space<semaphore_mem>>, %arg13: memref<!tpu.dma_semaphore, #tpu.memory_space<semaphore_mem>>, %arg14: memref<!tpu.dma_semaphore, #tpu.memory_space<semaphore_mem>>, %arg15: memref<!tpu.dma_semaphore, #tpu.memory_space<semaphore_mem>>, %arg16: memref<!tpu.dma_semaphore, #tpu.memory_space<semaphore_mem>>, %arg17: memref<!tpu.dma_semaphore, #tpu.memory_space<semaphore_mem>>) attributes {dimension_semantics = [#tpu.dimension_semantics<core_parallel>, #tpu.dimension_semantics<subcore_parallel>], iteration_bounds = array<i64: 2, 16>, scalar_prefetch = 0 : i64, scratch_operands = 12 : i64, tpu.core_type = #tpu.core_type<sc_vector_subcore>, window_params = [{transform_indices = #map}, {transform_indices = #map1}, {transform_indices = #map1}, {transform_indices = #map2}]} {
    %mul3A = arith.constant 16 : i32
    %mul3A_0 = arith.muli %arg0, %mul3A : i32
    %add3A = arith.addi %mul3A_0, %arg1 : i32
    %broadcast_in_dim3A = arith.constant 0.000000e+00 : f32
    %broadcast_in_dim3A_1 = vector.broadcast %broadcast_in_dim3A : f32 to vector<16xf32>
    %scan3A = arith.constant 0 : i32
    %scan3A_2 = arith.constant 0 : i32
    %scan3A_3 = arith.constant 100 : i32
    %scan3A_4 = arith.addi %scan3A_2, %scan3A_3 : i32
    %scan3A_5 = arith.constant 1 : i32
    scf.for %scan3A_24 = %scan3A_2 to %scan3A_4 step %scan3A_5  : i32 {
      %scan3A_25 = arith.constant 0 : i32
      %scan3A_26 = arith.constant 8 : i32
      %scan3A_27 = arith.addi %scan3A_25, %scan3A_26 : i32
      %scan3A_28 = arith.constant 1 : i32
      scf.for %scan3A_30 = %scan3A_25 to %scan3A_27 step %scan3A_28  : i32 {
        %mul3A_31 = arith.constant 16 : i32
        %mul3A_32 = arith.muli %scan3A_30, %mul3A_31 : i32
        %swap3A = arith.index_cast %scan3A_24 : i32 to index
        %swap3A_33 = arith.index_cast %mul3A_32 : i32 to index
        %swap3A_34 = tpu.vector_load %arg8[%swap3A, %swap3A_33] {strides = array<i32>} : memref<100x128xf32, #tpu.memory_space<vmem>>, vector<16xf32>,
        tpu.vector_store %arg8[%swap3A, %swap3A_33], %broadcast_in_dim3A_1 {strides = array<i32>} : memref<100x128xf32, #tpu.memory_space<vmem>>, vector<16xf32>,
      }
      %scan3A_29 = arith.constant 8 : i32
    }
    %scan3A_6 = arith.constant 100 : i32
    %mul3A_7 = arith.constant 640 : i32
    %mul3A_8 = arith.muli %arg1, %mul3A_7 : i32
    %scan3A_9 = arith.constant 0 : i32
    %scan3A_10 = arith.constant 0 : i32
    %scan3A_11 = arith.constant 6 : i32
    %scan3A_12 = arith.addi %scan3A_10, %scan3A_11 : i32
    %scan3A_13 = arith.constant 1 : i32
    scf.for %scan3A_24 = %scan3A_10 to %scan3A_12 step %scan3A_13  : i32 {
      %mul3A_25 = arith.constant 100 : i32
      %mul3A_26 = arith.muli %scan3A_24, %mul3A_25 : i32
      %add3A_27 = arith.addi %mul3A_8, %mul3A_26 : i32
      "tpu.region"() ({
        %run_scoped3A = tpu.sem_alloc : memref<!tpu.dma_semaphore, #tpu.memory_space<semaphore_mem>>
        %dma_start3A = arith.constant 0 : i32
        %dma_start3A_28 = tpu.memref_slice %arg11[%add3A_27, %dma_start3A] : memref<10240x128xf32, #tpu.memory_space<vmem_shared>> -> memref<100x128xf32, #tpu.memory_space<vmem_shared>>
        %dma_start3A_29 = arith.constant 0 : i32
        %dma_start3A_30 = tpu.memref_slice %arg11[%add3A_27, %dma_start3A_29] : memref<10240x128xf32, #tpu.memory_space<vmem_shared>> -> memref<100x128xf32, #tpu.memory_space<vmem_shared>>
        tpu.enqueue_dma source(%arg8 : memref<100x128xf32, #tpu.memory_space<vmem>>) target(%dma_start3A_30 : memref<100x128xf32, #tpu.memory_space<vmem_shared>>) target_semaphore(%run_scoped3A : memref<!tpu.dma_semaphore, #tpu.memory_space<semaphore_mem>>)
        %dma_wait3A = arith.constant 0 : i32
        %dma_wait3A_31 = tpu.memref_slice %arg11[%add3A_27, %dma_wait3A] : memref<10240x128xf32, #tpu.memory_space<vmem_shared>> -> memref<100x128xf32, #tpu.memory_space<vmem_shared>>
        %dma_wait3A_32 = arith.constant 0 : i32
        %dma_wait3A_33 = tpu.memref_slice %arg11[%add3A_27, %dma_wait3A_32] : memref<10240x128xf32, #tpu.memory_space<vmem_shared>> -> memref<100x128xf32, #tpu.memory_space<vmem_shared>>
        tpu.wait_dma2 semaphore(%run_scoped3A : memref<!tpu.dma_semaphore, #tpu.memory_space<semaphore_mem>>) src(%arg8 : memref<100x128xf32, #tpu.memory_space<vmem>>) dst(%dma_wait3A_33 : memref<100x128xf32, #tpu.memory_space<vmem_shared>>)
        tpu.yield
      }) : () -> ()
    }
    %scan3A_14 = arith.constant 6 : i32
    %add3A_15 = arith.constant 600 : i32
    %add3A_16 = arith.addi %mul3A_8, %add3A_15 : i32
    "tpu.region"() ({
      %run_scoped3A = tpu.sem_alloc : memref<!tpu.dma_semaphore, #tpu.memory_space<semaphore_mem>>
      %dma_start3A = arith.constant 0 : i32
      %dma_start3A_24 = arith.constant 0 : i32
      %dma_start3A_25 = tpu.memref_slice %arg8[%dma_start3A, %dma_start3A_24] : memref<100x128xf32, #tpu.memory_space<vmem>> -> memref<40x128xf32, #tpu.memory_space<vmem>>
      %dma_start3A_26 = arith.constant 0 : i32
      %dma_start3A_27 = tpu.memref_slice %arg11[%add3A_16, %dma_start3A_26] : memref<10240x128xf32, #tpu.memory_space<vmem_shared>> -> memref<40x128xf32, #tpu.memory_space<vmem_shared>>
      %dma_start3A_28 = arith.constant 0 : i32
      %dma_start3A_29 = tpu.memref_slice %arg11[%add3A_16, %dma_start3A_28] : memref<10240x128xf32, #tpu.memory_space<vmem_shared>> -> memref<40x128xf32, #tpu.memory_space<vmem_shared>>
      %dma_start3A_30 = arith.constant 0 : i32
      %dma_start3A_31 = arith.constant 0 : i32
      %dma_start3A_32 = tpu.memref_slice %arg8[%dma_start3A_30, %dma_start3A_31] : memref<100x128xf32, #tpu.memory_space<vmem>> -> memref<40x128xf32, #tpu.memory_space<vmem>>
      tpu.enqueue_dma source(%dma_start3A_32 : memref<40x128xf32, #tpu.memory_space<vmem>>) target(%dma_start3A_29 : memref<40x128xf32, #tpu.memory_space<vmem_shared>>) target_semaphore(%run_scoped3A : memref<!tpu.dma_semaphore, #tpu.memory_space<semaphore_mem>>)
      %dma_wait3A = arith.constant 0 : i32
      %dma_wait3A_33 = arith.constant 0 : i32
      %dma_wait3A_34 = tpu.memref_slice %arg8[%dma_wait3A, %dma_wait3A_33] : memref<100x128xf32, #tpu.memory_space<vmem>> -> memref<40x128xf32, #tpu.memory_space<vmem>>
      %dma_wait3A_35 = arith.constant 0 : i32
      %dma_wait3A_36 = tpu.memref_slice %arg11[%add3A_16, %dma_wait3A_35] : memref<10240x128xf32, #tpu.memory_space<vmem_shared>> -> memref<40x128xf32, #tpu.memory_space<vmem_shared>>
      %dma_wait3A_37 = arith.constant 0 : i32
      %dma_wait3A_38 = tpu.memref_slice %arg11[%add3A_16, %dma_wait3A_37] : memref<10240x128xf32, #tpu.memory_space<vmem_shared>> -> memref<40x128xf32, #tpu.memory_space<vmem_shared>>
      %dma_wait3A_39 = arith.constant 0 : i32
      %dma_wait3A_40 = arith.constant 0 : i32
      %dma_wait3A_41 = tpu.memref_slice %arg8[%dma_wait3A_39, %dma_wait3A_40] : memref<100x128xf32, #tpu.memory_space<vmem>> -> memref<40x128xf32, #tpu.memory_space<vmem>>
      tpu.wait_dma2 semaphore(%run_scoped3A : memref<!tpu.dma_semaphore, #tpu.memory_space<semaphore_mem>>) src(%dma_wait3A_41 : memref<40x128xf32, #tpu.memory_space<vmem>>) dst(%dma_wait3A_38 : memref<40x128xf32, #tpu.memory_space<vmem_shared>>)
      tpu.yield
    }) : () -> ()
    %barrier3A = arith.constant 0 : index
    tpu.barrier barrier_id(%barrier3A)
    %scan3A_17 = arith.constant 0 : i32
    %scan3A_18 = arith.constant 0 : i32
    %scan3A_19 = arith.constant 2 : i32
    %scan3A_20 = arith.addi %scan3A_18, %scan3A_19 : i32
    %scan3A_21 = arith.constant 1 : i32
    scf.for %scan3A_24 = %scan3A_18 to %scan3A_20 step %scan3A_21  : i32 {
      "tpu.region"() ({
        %run_scoped3A = tpu.sem_alloc : memref<!tpu.dma_semaphore, #tpu.memory_space<semaphore_mem>>
        %dma_start3A_113 = arith.constant 0 : i32
        %dma_start3A_114 = arith.constant 0 : i32
        %dma_start3A_115 = tpu.memref_slice %arg3[%add3A, %scan3A_24, %dma_start3A_113, %dma_start3A_114] : memref<32x2x50x100xi32, #tpu.memory_space<hbm>> -> memref<1x1x50x100xi32, #tpu.memory_space<hbm>>
        %dma_start3A_116 = tpu.memref_squeeze %dma_start3A_115 : memref<1x1x50x100xi32, #tpu.memory_space<hbm>> -> memref<50x100xi32, #tpu.memory_space<hbm>>
        %dma_start3A_117 = arith.constant 0 : i32
        %dma_start3A_118 = arith.constant 0 : i32
        %dma_start3A_119 = tpu.memref_slice %arg3[%add3A, %scan3A_24, %dma_start3A_117, %dma_start3A_118] : memref<32x2x50x100xi32, #tpu.memory_space<hbm>> -> memref<1x1x50x100xi32, #tpu.memory_space<hbm>>
        %dma_start3A_120 = tpu.memref_squeeze %dma_start3A_119 : memref<1x1x50x100xi32, #tpu.memory_space<hbm>> -> memref<50x100xi32, #tpu.memory_space<hbm>>
        tpu.enqueue_dma source(%dma_start3A_120 : memref<50x100xi32, #tpu.memory_space<hbm>>) target(%arg6 : memref<50x100xi32, #tpu.memory_space<vmem>>) target_semaphore(%run_scoped3A : memref<!tpu.dma_semaphore, #tpu.memory_space<semaphore_mem>>)
        %dma_wait3A_121 = arith.constant 0 : i32
        %dma_wait3A_122 = arith.constant 0 : i32
        %dma_wait3A_123 = tpu.memref_slice %arg3[%add3A, %scan3A_24, %dma_wait3A_121, %dma_wait3A_122] : memref<32x2x50x100xi32, #tpu.memory_space<hbm>> -> memref<1x1x50x100xi32, #tpu.memory_space<hbm>>
        %dma_wait3A_124 = tpu.memref_squeeze %dma_wait3A_123 : memref<1x1x50x100xi32, #tpu.memory_space<hbm>> -> memref<50x100xi32, #tpu.memory_space<hbm>>
        %dma_wait3A_125 = arith.constant 0 : i32
        %dma_wait3A_126 = arith.constant 0 : i32
        %dma_wait3A_127 = tpu.memref_slice %arg3[%add3A, %scan3A_24, %dma_wait3A_125, %dma_wait3A_126] : memref<32x2x50x100xi32, #tpu.memory_space<hbm>> -> memref<1x1x50x100xi32, #tpu.memory_space<hbm>>
        %dma_wait3A_128 = tpu.memref_squeeze %dma_wait3A_127 : memref<1x1x50x100xi32, #tpu.memory_space<hbm>> -> memref<50x100xi32, #tpu.memory_space<hbm>>
        tpu.wait_dma2 semaphore(%run_scoped3A : memref<!tpu.dma_semaphore, #tpu.memory_space<semaphore_mem>>) src(%dma_wait3A_128 : memref<50x100xi32, #tpu.memory_space<hbm>>) dst(%arg6 : memref<50x100xi32, #tpu.memory_space<vmem>>)
        tpu.yield
      }) : () -> ()
      "tpu.region"() ({
        %run_scoped3A = tpu.sem_alloc : memref<!tpu.dma_semaphore, #tpu.memory_space<semaphore_mem>>
        %dma_start3A_113 = arith.constant 0 : i32
        %dma_start3A_114 = arith.constant 0 : i32
        %dma_start3A_115 = tpu.memref_slice %arg4[%add3A, %scan3A_24, %dma_start3A_113, %dma_start3A_114] : memref<32x2x50x100xi32, #tpu.memory_space<hbm>> -> memref<1x1x50x100xi32, #tpu.memory_space<hbm>>
        %dma_start3A_116 = tpu.memref_squeeze %dma_start3A_115 : memref<1x1x50x100xi32, #tpu.memory_space<hbm>> -> memref<50x100xi32, #tpu.memory_space<hbm>>
        %dma_start3A_117 = arith.constant 0 : i32
        %dma_start3A_118 = arith.constant 0 : i32
        %dma_start3A_119 = tpu.memref_slice %arg4[%add3A, %scan3A_24, %dma_start3A_117, %dma_start3A_118] : memref<32x2x50x100xi32, #tpu.memory_space<hbm>> -> memref<1x1x50x100xi32, #tpu.memory_space<hbm>>
        %dma_start3A_120 = tpu.memref_squeeze %dma_start3A_119 : memref<1x1x50x100xi32, #tpu.memory_space<hbm>> -> memref<50x100xi32, #tpu.memory_space<hbm>>
        tpu.enqueue_dma source(%dma_start3A_120 : memref<50x100xi32, #tpu.memory_space<hbm>>) target(%arg7 : memref<50x100xi32, #tpu.memory_space<vmem>>) target_semaphore(%run_scoped3A : memref<!tpu.dma_semaphore, #tpu.memory_space<semaphore_mem>>)
        %dma_wait3A_121 = arith.constant 0 : i32
        %dma_wait3A_122 = arith.constant 0 : i32
        %dma_wait3A_123 = tpu.memref_slice %arg4[%add3A, %scan3A_24, %dma_wait3A_121, %dma_wait3A_122] : memref<32x2x50x100xi32, #tpu.memory_space<hbm>> -> memref<1x1x50x100xi32, #tpu.memory_space<hbm>>
        %dma_wait3A_124 = tpu.memref_squeeze %dma_wait3A_123 : memref<1x1x50x100xi32, #tpu.memory_space<hbm>> -> memref<50x100xi32, #tpu.memory_space<hbm>>
        %dma_wait3A_125 = arith.constant 0 : i32
        %dma_wait3A_126 = arith.constant 0 : i32
        %dma_wait3A_127 = tpu.memref_slice %arg4[%add3A, %scan3A_24, %dma_wait3A_125, %dma_wait3A_126] : memref<32x2x50x100xi32, #tpu.memory_space<hbm>> -> memref<1x1x50x100xi32, #tpu.memory_space<hbm>>
        %dma_wait3A_128 = tpu.memref_squeeze %dma_wait3A_127 : memref<1x1x50x100xi32, #tpu.memory_space<hbm>> -> memref<50x100xi32, #tpu.memory_space<hbm>>
        tpu.wait_dma2 semaphore(%run_scoped3A : memref<!tpu.dma_semaphore, #tpu.memory_space<semaphore_mem>>) src(%dma_wait3A_128 : memref<50x100xi32, #tpu.memory_space<hbm>>) dst(%arg7 : memref<50x100xi32, #tpu.memory_space<vmem>>)
        tpu.yield
      }) : () -> ()
      %dma_start3A = arith.constant 0 : i32
      %dma_start3A_25 = arith.constant 0 : i32
      %dma_start3A_26 = tpu.memref_slice %arg6[%dma_start3A, %dma_start3A_25] : memref<50x100xi32, #tpu.memory_space<vmem>> -> memref<1x100xi32, #tpu.memory_space<vmem>>
      %dma_start3A_27 = tpu.memref_squeeze %dma_start3A_26 : memref<1x100xi32, #tpu.memory_space<vmem>> -> memref<100xi32, #tpu.memory_space<vmem>>
      %dma_start3A_28 = arith.constant 0 : i32
      %dma_start3A_29 = arith.constant 0 : i32
      %dma_start3A_30 = tpu.memref_slice %arg2[%dma_start3A_28, %dma_start3A_29] : memref<10240x128xf32, #tpu.memory_space<hbm>> -> memref<10240x128xf32, #tpu.memory_space<hbm>>
      tpu.enqueue_indirect_dma source(%dma_start3A_30 : memref<10240x128xf32, #tpu.memory_space<hbm>>) target(%arg8 : memref<100x128xf32, #tpu.memory_space<vmem>>) offsets(%dma_start3A_27 : memref<100xi32, #tpu.memory_space<vmem>>) semaphore(%arg12 : memref<!tpu.dma_semaphore, #tpu.memory_space<semaphore_mem>>)
      %dma_start3A_31 = arith.constant 1 : i32
      %dma_start3A_32 = arith.constant 0 : i32
      %dma_start3A_33 = tpu.memref_slice %arg6[%dma_start3A_31, %dma_start3A_32] : memref<50x100xi32, #tpu.memory_space<vmem>> -> memref<1x100xi32, #tpu.memory_space<vmem>>
      %dma_start3A_34 = tpu.memref_squeeze %dma_start3A_33 : memref<1x100xi32, #tpu.memory_space<vmem>> -> memref<100xi32, #tpu.memory_space<vmem>>
      %dma_start3A_35 = arith.constant 0 : i32
      %dma_start3A_36 = arith.constant 0 : i32
      %dma_start3A_37 = tpu.memref_slice %arg2[%dma_start3A_35, %dma_start3A_36] : memref<10240x128xf32, #tpu.memory_space<hbm>> -> memref<10240x128xf32, #tpu.memory_space<hbm>>
      tpu.enqueue_indirect_dma source(%dma_start3A_37 : memref<10240x128xf32, #tpu.memory_space<hbm>>) target(%arg9 : memref<100x128xf32, #tpu.memory_space<vmem>>) offsets(%dma_start3A_34 : memref<100xi32, #tpu.memory_space<vmem>>) semaphore(%arg13 : memref<!tpu.dma_semaphore, #tpu.memory_space<semaphore_mem>>)
      %dma_start3A_38 = arith.constant 2 : i32
      %dma_start3A_39 = arith.constant 0 : i32
      %dma_start3A_40 = tpu.memref_slice %arg6[%dma_start3A_38, %dma_start3A_39] : memref<50x100xi32, #tpu.memory_space<vmem>> -> memref<1x100xi32, #tpu.memory_space<vmem>>
      %dma_start3A_41 = tpu.memref_squeeze %dma_start3A_40 : memref<1x100xi32, #tpu.memory_space<vmem>> -> memref<100xi32, #tpu.memory_space<vmem>>
      %dma_start3A_42 = arith.constant 0 : i32
      %dma_start3A_43 = arith.constant 0 : i32
      %dma_start3A_44 = tpu.memref_slice %arg2[%dma_start3A_42, %dma_start3A_43] : memref<10240x128xf32, #tpu.memory_space<hbm>> -> memref<10240x128xf32, #tpu.memory_space<hbm>>
      tpu.enqueue_indirect_dma source(%dma_start3A_44 : memref<10240x128xf32, #tpu.memory_space<hbm>>) target(%arg10 : memref<100x128xf32, #tpu.memory_space<vmem>>) offsets(%dma_start3A_41 : memref<100xi32, #tpu.memory_space<vmem>>) semaphore(%arg14 : memref<!tpu.dma_semaphore, #tpu.memory_space<semaphore_mem>>)
      %dma_wait3A = arith.constant 0 : i32
      %dma_wait3A_45 = arith.constant 0 : i32
      %dma_wait3A_46 = tpu.memref_slice %arg6[%dma_wait3A, %dma_wait3A_45] : memref<50x100xi32, #tpu.memory_space<vmem>> -> memref<1x100xi32, #tpu.memory_space<vmem>>
      %dma_wait3A_47 = tpu.memref_squeeze %dma_wait3A_46 : memref<1x100xi32, #tpu.memory_space<vmem>> -> memref<100xi32, #tpu.memory_space<vmem>>
      %dma_wait3A_48 = arith.constant 0 : i32
      %dma_wait3A_49 = arith.constant 0 : i32
      %dma_wait3A_50 = tpu.memref_slice %arg2[%dma_wait3A_48, %dma_wait3A_49] : memref<10240x128xf32, #tpu.memory_space<hbm>> -> memref<10240x128xf32, #tpu.memory_space<hbm>>
      tpu.wait_indirect_dma semaphore(%arg12 : memref<!tpu.dma_semaphore, #tpu.memory_space<semaphore_mem>>) src(%dma_wait3A_50 : memref<10240x128xf32, #tpu.memory_space<hbm>>) dst(%arg8 : memref<100x128xf32, #tpu.memory_space<vmem>>)
      %dma_start3A_51 = arith.constant 0 : i32
      %dma_start3A_52 = arith.constant 0 : i32
      %dma_start3A_53 = tpu.memref_slice %arg7[%dma_start3A_51, %dma_start3A_52] : memref<50x100xi32, #tpu.memory_space<vmem>> -> memref<1x100xi32, #tpu.memory_space<vmem>>
      %dma_start3A_54 = tpu.memref_squeeze %dma_start3A_53 : memref<1x100xi32, #tpu.memory_space<vmem>> -> memref<100xi32, #tpu.memory_space<vmem>>
      %dma_start3A_55 = arith.constant 0 : i32
      %dma_start3A_56 = arith.constant 0 : i32
      %dma_start3A_57 = tpu.memref_slice %arg11[%dma_start3A_55, %dma_start3A_56] : memref<10240x128xf32, #tpu.memory_space<vmem_shared>> -> memref<10240x128xf32, #tpu.memory_space<vmem_shared>>
      tpu.enqueue_indirect_dma source(%arg8 : memref<100x128xf32, #tpu.memory_space<vmem>>) target(%dma_start3A_57 : memref<10240x128xf32, #tpu.memory_space<vmem_shared>>) offsets(%dma_start3A_54 : memref<100xi32, #tpu.memory_space<vmem>>) semaphore(%arg15 : memref<!tpu.dma_semaphore, #tpu.memory_space<semaphore_mem>>) {add = true}
      %dma_wait3A_58 = arith.constant 1 : i32
      %dma_wait3A_59 = arith.constant 0 : i32
      %dma_wait3A_60 = tpu.memref_slice %arg6[%dma_wait3A_58, %dma_wait3A_59] : memref<50x100xi32, #tpu.memory_space<vmem>> -> memref<1x100xi32, #tpu.memory_space<vmem>>
      %dma_wait3A_61 = tpu.memref_squeeze %dma_wait3A_60 : memref<1x100xi32, #tpu.memory_space<vmem>> -> memref<100xi32, #tpu.memory_space<vmem>>
      %dma_wait3A_62 = arith.constant 0 : i32
      %dma_wait3A_63 = arith.constant 0 : i32
      %dma_wait3A_64 = tpu.memref_slice %arg2[%dma_wait3A_62, %dma_wait3A_63] : memref<10240x128xf32, #tpu.memory_space<hbm>> -> memref<10240x128xf32, #tpu.memory_space<hbm>>
      tpu.wait_indirect_dma semaphore(%arg13 : memref<!tpu.dma_semaphore, #tpu.memory_space<semaphore_mem>>) src(%dma_wait3A_64 : memref<10240x128xf32, #tpu.memory_space<hbm>>) dst(%arg9 : memref<100x128xf32, #tpu.memory_space<vmem>>)
      %dma_start3A_65 = arith.constant 1 : i32
      %dma_start3A_66 = arith.constant 0 : i32
      %dma_start3A_67 = tpu.memref_slice %arg7[%dma_start3A_65, %dma_start3A_66] : memref<50x100xi32, #tpu.memory_space<vmem>> -> memref<1x100xi32, #tpu.memory_space<vmem>>
      %dma_start3A_68 = tpu.memref_squeeze %dma_start3A_67 : memref<1x100xi32, #tpu.memory_space<vmem>> -> memref<100xi32, #tpu.memory_space<vmem>>
      %dma_start3A_69 = arith.constant 0 : i32
      %dma_start3A_70 = arith.constant 0 : i32
      %dma_start3A_71 = tpu.memref_slice %arg11[%dma_start3A_69, %dma_start3A_70] : memref<10240x128xf32, #tpu.memory_space<vmem_shared>> -> memref<10240x128xf32, #tpu.memory_space<vmem_shared>>
      tpu.enqueue_indirect_dma source(%arg9 : memref<100x128xf32, #tpu.memory_space<vmem>>) target(%dma_start3A_71 : memref<10240x128xf32, #tpu.memory_space<vmem_shared>>) offsets(%dma_start3A_68 : memref<100xi32, #tpu.memory_space<vmem>>) semaphore(%arg16 : memref<!tpu.dma_semaphore, #tpu.memory_space<semaphore_mem>>) {add = true}
      %dma_wait3A_72 = arith.constant 0 : i32
      %dma_wait3A_73 = arith.constant 0 : i32
      %dma_wait3A_74 = tpu.memref_slice %arg7[%dma_wait3A_72, %dma_wait3A_73] : memref<50x100xi32, #tpu.memory_space<vmem>> -> memref<1x100xi32, #tpu.memory_space<vmem>>
      %dma_wait3A_75 = tpu.memref_squeeze %dma_wait3A_74 : memref<1x100xi32, #tpu.memory_space<vmem>> -> memref<100xi32, #tpu.memory_space<vmem>>
      %dma_wait3A_76 = arith.constant 0 : i32
      %dma_wait3A_77 = arith.constant 0 : i32
      %dma_wait3A_78 = tpu.memref_slice %arg11[%dma_wait3A_76, %dma_wait3A_77] : memref<10240x128xf32, #tpu.memory_space<vmem_shared>> -> memref<10240x128xf32, #tpu.memory_space<vmem_shared>>
      tpu.wait_indirect_dma semaphore(%arg15 : memref<!tpu.dma_semaphore, #tpu.memory_space<semaphore_mem>>) src(%arg8 : memref<100x128xf32, #tpu.memory_space<vmem>>) dst(%dma_wait3A_78 : memref<10240x128xf32, #tpu.memory_space<vmem_shared>>)
      %dma_start3A_79 = arith.constant 3 : i32
      %dma_start3A_80 = arith.constant 0 : i32
      %dma_start3A_81 = tpu.memref_slice %arg6[%dma_start3A_79, %dma_start3A_80] : memref<50x100xi32, #tpu.memory_space<vmem>> -> memref<1x100xi32, #tpu.memory_space<vmem>>
      %dma_start3A_82 = tpu.memref_squeeze %dma_start3A_81 : memref<1x100xi32, #tpu.memory_space<vmem>> -> memref<100xi32, #tpu.memory_space<vmem>>
      %dma_start3A_83 = arith.constant 0 : i32
      %dma_start3A_84 = arith.constant 0 : i32
      %dma_start3A_85 = tpu.memref_slice %arg2[%dma_start3A_83, %dma_start3A_84] : memref<10240x128xf32, #tpu.memory_space<hbm>> -> memref<10240x128xf32, #tpu.memory_space<hbm>>
      tpu.enqueue_indirect_dma source(%dma_start3A_85 : memref<10240x128xf32, #tpu.memory_space<hbm>>) target(%arg8 : memref<100x128xf32, #tpu.memory_space<vmem>>) offsets(%dma_start3A_82 : memref<100xi32, #tpu.memory_space<vmem>>) semaphore(%arg12 : memref<!tpu.dma_semaphore, #tpu.memory_space<semaphore_mem>>)
      %scan3A_86 = arith.constant 0 : i32
      %scan3A_87 = arith.constant 0 : i32
      %scan3A_88 = arith.constant 16 : i32
      %scan3A_89 = arith.addi %scan3A_87, %scan3A_88 : i32
      %scan3A_90 = arith.constant 1 : i32
      scf.for %scan3A_113 = %scan3A_87 to %scan3A_89 step %scan3A_90  : i32 {
        %mul3A_114 = arith.constant 3 : i32
        %mul3A_115 = arith.muli %mul3A_114, %scan3A_113 : i32
        %add3A_116 = arith.constant 2 : i32
        %add3A_117 = arith.addi %mul3A_115, %add3A_116 : i32
        %dma_wait3A_118 = arith.constant 0 : i32
        %dma_wait3A_119 = tpu.memref_slice %arg6[%add3A_117, %dma_wait3A_118] : memref<50x100xi32, #tpu.memory_space<vmem>> -> memref<1x100xi32, #tpu.memory_space<vmem>>
        %dma_wait3A_120 = tpu.memref_squeeze %dma_wait3A_119 : memref<1x100xi32, #tpu.memory_space<vmem>> -> memref<100xi32, #tpu.memory_space<vmem>>
        %dma_wait3A_121 = arith.constant 0 : i32
        %dma_wait3A_122 = arith.constant 0 : i32
        %dma_wait3A_123 = tpu.memref_slice %arg2[%dma_wait3A_121, %dma_wait3A_122] : memref<10240x128xf32, #tpu.memory_space<hbm>> -> memref<10240x128xf32, #tpu.memory_space<hbm>>
        tpu.wait_indirect_dma semaphore(%arg14 : memref<!tpu.dma_semaphore, #tpu.memory_space<semaphore_mem>>) src(%dma_wait3A_123 : memref<10240x128xf32, #tpu.memory_space<hbm>>) dst(%arg10 : memref<100x128xf32, #tpu.memory_space<vmem>>)
        %dma_start3A_124 = arith.constant 0 : i32
        %dma_start3A_125 = tpu.memref_slice %arg7[%add3A_117, %dma_start3A_124] : memref<50x100xi32, #tpu.memory_space<vmem>> -> memref<1x100xi32, #tpu.memory_space<vmem>>
        %dma_start3A_126 = tpu.memref_squeeze %dma_start3A_125 : memref<1x100xi32, #tpu.memory_space<vmem>> -> memref<100xi32, #tpu.memory_space<vmem>>
        %dma_start3A_127 = arith.constant 0 : i32
        %dma_start3A_128 = arith.constant 0 : i32
        %dma_start3A_129 = tpu.memref_slice %arg11[%dma_start3A_127, %dma_start3A_128] : memref<10240x128xf32, #tpu.memory_space<vmem_shared>> -> memref<10240x128xf32, #tpu.memory_space<vmem_shared>>
        tpu.enqueue_indirect_dma source(%arg10 : memref<100x128xf32, #tpu.memory_space<vmem>>) target(%dma_start3A_129 : memref<10240x128xf32, #tpu.memory_space<vmem_shared>>) offsets(%dma_start3A_126 : memref<100xi32, #tpu.memory_space<vmem>>) semaphore(%arg17 : memref<!tpu.dma_semaphore, #tpu.memory_space<semaphore_mem>>) {add = true}
        %sub3A = arith.constant 1 : i32
        %sub3A_130 = arith.subi %add3A_117, %sub3A : i32
        %dma_wait3A_131 = arith.constant 0 : i32
        %dma_wait3A_132 = tpu.memref_slice %arg7[%sub3A_130, %dma_wait3A_131] : memref<50x100xi32, #tpu.memory_space<vmem>> -> memref<1x100xi32, #tpu.memory_space<vmem>>
        %dma_wait3A_133 = tpu.memref_squeeze %dma_wait3A_132 : memref<1x100xi32, #tpu.memory_space<vmem>> -> memref<100xi32, #tpu.memory_space<vmem>>
        %dma_wait3A_134 = arith.constant 0 : i32
        %dma_wait3A_135 = arith.constant 0 : i32
        %dma_wait3A_136 = tpu.memref_slice %arg11[%dma_wait3A_134, %dma_wait3A_135] : memref<10240x128xf32, #tpu.memory_space<vmem_shared>> -> memref<10240x128xf32, #tpu.memory_space<vmem_shared>>
        tpu.wait_indirect_dma semaphore(%arg16 : memref<!tpu.dma_semaphore, #tpu.memory_space<semaphore_mem>>) src(%arg9 : memref<100x128xf32, #tpu.memory_space<vmem>>) dst(%dma_wait3A_136 : memref<10240x128xf32, #tpu.memory_space<vmem_shared>>)
        %add3A_137 = arith.constant 2 : i32
        %add3A_138 = arith.addi %add3A_117, %add3A_137 : i32
        %min3A = arith.constant 49 : i32
        %min3A_139 = arith.minsi %add3A_138, %min3A : i32
        %dma_start3A_140 = arith.constant 0 : i32
        %dma_start3A_141 = tpu.memref_slice %arg6[%min3A_139, %dma_start3A_140] : memref<50x100xi32, #tpu.memory_space<vmem>> -> memref<1x100xi32, #tpu.memory_space<vmem>>
        %dma_start3A_142 = tpu.memref_squeeze %dma_start3A_141 : memref<1x100xi32, #tpu.memory_space<vmem>> -> memref<100xi32, #tpu.memory_space<vmem>>
        %dma_start3A_143 = arith.constant 0 : i32
        %dma_start3A_144 = arith.constant 0 : i32
        %dma_start3A_145 = tpu.memref_slice %arg2[%dma_start3A_143, %dma_start3A_144] : memref<10240x128xf32, #tpu.memory_space<hbm>> -> memref<10240x128xf32, #tpu.memory_space<hbm>>
        tpu.enqueue_indirect_dma source(%dma_start3A_145 : memref<10240x128xf32, #tpu.memory_space<hbm>>) target(%arg9 : memref<100x128xf32, #tpu.memory_space<vmem>>) offsets(%dma_start3A_142 : memref<100xi32, #tpu.memory_space<vmem>>) semaphore(%arg13 : memref<!tpu.dma_semaphore, #tpu.memory_space<semaphore_mem>>)
        %add3A_146 = arith.constant 1 : i32
        %add3A_147 = arith.addi %add3A_117, %add3A_146 : i32
        %dma_wait3A_148 = arith.constant 0 : i32
        %dma_wait3A_149 = tpu.memref_slice %arg6[%add3A_147, %dma_wait3A_148] : memref<50x100xi32, #tpu.memory_space<vmem>> -> memref<1x100xi32, #tpu.memory_space<vmem>>
        %dma_wait3A_150 = tpu.memref_squeeze %dma_wait3A_149 : memref<1x100xi32, #tpu.memory_space<vmem>> -> memref<100xi32, #tpu.memory_space<vmem>>
        %dma_wait3A_151 = arith.constant 0 : i32
        %dma_wait3A_152 = arith.constant 0 : i32
        %dma_wait3A_153 = tpu.memref_slice %arg2[%dma_wait3A_151, %dma_wait3A_152] : memref<10240x128xf32, #tpu.memory_space<hbm>> -> memref<10240x128xf32, #tpu.memory_space<hbm>>
        tpu.wait_indirect_dma semaphore(%arg12 : memref<!tpu.dma_semaphore, #tpu.memory_space<semaphore_mem>>) src(%dma_wait3A_153 : memref<10240x128xf32, #tpu.memory_space<hbm>>) dst(%arg8 : memref<100x128xf32, #tpu.memory_space<vmem>>)
        %add3A_154 = arith.constant 1 : i32
        %add3A_155 = arith.addi %add3A_117, %add3A_154 : i32
        %dma_start3A_156 = arith.constant 0 : i32
        %dma_start3A_157 = tpu.memref_slice %arg7[%add3A_155, %dma_start3A_156] : memref<50x100xi32, #tpu.memory_space<vmem>> -> memref<1x100xi32, #tpu.memory_space<vmem>>
        %dma_start3A_158 = tpu.memref_squeeze %dma_start3A_157 : memref<1x100xi32, #tpu.memory_space<vmem>> -> memref<100xi32, #tpu.memory_space<vmem>>
        %dma_start3A_159 = arith.constant 0 : i32
        %dma_start3A_160 = arith.constant 0 : i32
        %dma_start3A_161 = tpu.memref_slice %arg11[%dma_start3A_159, %dma_start3A_160] : memref<10240x128xf32, #tpu.memory_space<vmem_shared>> -> memref<10240x128xf32, #tpu.memory_space<vmem_shared>>
        tpu.enqueue_indirect_dma source(%arg8 : memref<100x128xf32, #tpu.memory_space<vmem>>) target(%dma_start3A_161 : memref<10240x128xf32, #tpu.memory_space<vmem_shared>>) offsets(%dma_start3A_158 : memref<100xi32, #tpu.memory_space<vmem>>) semaphore(%arg15 : memref<!tpu.dma_semaphore, #tpu.memory_space<semaphore_mem>>) {add = true}
        %dma_wait3A_162 = arith.constant 0 : i32
        %dma_wait3A_163 = tpu.memref_slice %arg7[%add3A_117, %dma_wait3A_162] : memref<50x100xi32, #tpu.memory_space<vmem>> -> memref<1x100xi32, #tpu.memory_space<vmem>>
        %dma_wait3A_164 = tpu.memref_squeeze %dma_wait3A_163 : memref<1x100xi32, #tpu.memory_space<vmem>> -> memref<100xi32, #tpu.memory_space<vmem>>
        %dma_wait3A_165 = arith.constant 0 : i32
        %dma_wait3A_166 = arith.constant 0 : i32
        %dma_wait3A_167 = tpu.memref_slice %arg11[%dma_wait3A_165, %dma_wait3A_166] : memref<10240x128xf32, #tpu.memory_space<vmem_shared>> -> memref<10240x128xf32, #tpu.memory_space<vmem_shared>>
        tpu.wait_indirect_dma semaphore(%arg17 : memref<!tpu.dma_semaphore, #tpu.memory_space<semaphore_mem>>) src(%arg10 : memref<100x128xf32, #tpu.memory_space<vmem>>) dst(%dma_wait3A_167 : memref<10240x128xf32, #tpu.memory_space<vmem_shared>>)
        %add3A_168 = arith.constant 3 : i32
        %add3A_169 = arith.addi %add3A_117, %add3A_168 : i32
        %min3A_170 = arith.constant 49 : i32
        %min3A_171 = arith.minsi %add3A_169, %min3A_170 : i32
        %dma_start3A_172 = arith.constant 0 : i32
        %dma_start3A_173 = tpu.memref_slice %arg6[%min3A_171, %dma_start3A_172] : memref<50x100xi32, #tpu.memory_space<vmem>> -> memref<1x100xi32, #tpu.memory_space<vmem>>
        %dma_start3A_174 = tpu.memref_squeeze %dma_start3A_173 : memref<1x100xi32, #tpu.memory_space<vmem>> -> memref<100xi32, #tpu.memory_space<vmem>>
        %dma_start3A_175 = arith.constant 0 : i32
        %dma_start3A_176 = arith.constant 0 : i32
        %dma_start3A_177 = tpu.memref_slice %arg2[%dma_start3A_175, %dma_start3A_176] : memref<10240x128xf32, #tpu.memory_space<hbm>> -> memref<10240x128xf32, #tpu.memory_space<hbm>>
        tpu.enqueue_indirect_dma source(%dma_start3A_177 : memref<10240x128xf32, #tpu.memory_space<hbm>>) target(%arg10 : memref<100x128xf32, #tpu.memory_space<vmem>>) offsets(%dma_start3A_174 : memref<100xi32, #tpu.memory_space<vmem>>) semaphore(%arg14 : memref<!tpu.dma_semaphore, #tpu.memory_space<semaphore_mem>>)
        %add3A_178 = arith.constant 2 : i32
        %add3A_179 = arith.addi %add3A_117, %add3A_178 : i32
        %dma_wait3A_180 = arith.constant 0 : i32
        %dma_wait3A_181 = tpu.memref_slice %arg6[%add3A_179, %dma_wait3A_180] : memref<50x100xi32, #tpu.memory_space<vmem>> -> memref<1x100xi32, #tpu.memory_space<vmem>>
        %dma_wait3A_182 = tpu.memref_squeeze %dma_wait3A_181 : memref<1x100xi32, #tpu.memory_space<vmem>> -> memref<100xi32, #tpu.memory_space<vmem>>
        %dma_wait3A_183 = arith.constant 0 : i32
        %dma_wait3A_184 = arith.constant 0 : i32
        %dma_wait3A_185 = tpu.memref_slice %arg2[%dma_wait3A_183, %dma_wait3A_184] : memref<10240x128xf32, #tpu.memory_space<hbm>> -> memref<10240x128xf32, #tpu.memory_space<hbm>>
        tpu.wait_indirect_dma semaphore(%arg13 : memref<!tpu.dma_semaphore, #tpu.memory_space<semaphore_mem>>) src(%dma_wait3A_185 : memref<10240x128xf32, #tpu.memory_space<hbm>>) dst(%arg9 : memref<100x128xf32, #tpu.memory_space<vmem>>)
        %add3A_186 = arith.constant 2 : i32
        %add3A_187 = arith.addi %add3A_117, %add3A_186 : i32
        %dma_start3A_188 = arith.constant 0 : i32
        %dma_start3A_189 = tpu.memref_slice %arg7[%add3A_187, %dma_start3A_188] : memref<50x100xi32, #tpu.memory_space<vmem>> -> memref<1x100xi32, #tpu.memory_space<vmem>>
        %dma_start3A_190 = tpu.memref_squeeze %dma_start3A_189 : memref<1x100xi32, #tpu.memory_space<vmem>> -> memref<100xi32, #tpu.memory_space<vmem>>
        %dma_start3A_191 = arith.constant 0 : i32
        %dma_start3A_192 = arith.constant 0 : i32
        %dma_start3A_193 = tpu.memref_slice %arg11[%dma_start3A_191, %dma_start3A_192] : memref<10240x128xf32, #tpu.memory_space<vmem_shared>> -> memref<10240x128xf32, #tpu.memory_space<vmem_shared>>
        tpu.enqueue_indirect_dma source(%arg9 : memref<100x128xf32, #tpu.memory_space<vmem>>) target(%dma_start3A_193 : memref<10240x128xf32, #tpu.memory_space<vmem_shared>>) offsets(%dma_start3A_190 : memref<100xi32, #tpu.memory_space<vmem>>) semaphore(%arg16 : memref<!tpu.dma_semaphore, #tpu.memory_space<semaphore_mem>>) {add = true}
        %add3A_194 = arith.constant 1 : i32
        %add3A_195 = arith.addi %add3A_117, %add3A_194 : i32
        %dma_wait3A_196 = arith.constant 0 : i32
        %dma_wait3A_197 = tpu.memref_slice %arg7[%add3A_195, %dma_wait3A_196] : memref<50x100xi32, #tpu.memory_space<vmem>> -> memref<1x100xi32, #tpu.memory_space<vmem>>
        %dma_wait3A_198 = tpu.memref_squeeze %dma_wait3A_197 : memref<1x100xi32, #tpu.memory_space<vmem>> -> memref<100xi32, #tpu.memory_space<vmem>>
        %dma_wait3A_199 = arith.constant 0 : i32
        %dma_wait3A_200 = arith.constant 0 : i32
        %dma_wait3A_201 = tpu.memref_slice %arg11[%dma_wait3A_199, %dma_wait3A_200] : memref<10240x128xf32, #tpu.memory_space<vmem_shared>> -> memref<10240x128xf32, #tpu.memory_space<vmem_shared>>
        tpu.wait_indirect_dma semaphore(%arg15 : memref<!tpu.dma_semaphore, #tpu.memory_space<semaphore_mem>>) src(%arg8 : memref<100x128xf32, #tpu.memory_space<vmem>>) dst(%dma_wait3A_201 : memref<10240x128xf32, #tpu.memory_space<vmem_shared>>)
        %add3A_202 = arith.constant 4 : i32
        %add3A_203 = arith.addi %add3A_117, %add3A_202 : i32
        %min3A_204 = arith.constant 49 : i32
        %min3A_205 = arith.minsi %add3A_203, %min3A_204 : i32
        %dma_start3A_206 = arith.constant 0 : i32
        %dma_start3A_207 = tpu.memref_slice %arg6[%min3A_205, %dma_start3A_206] : memref<50x100xi32, #tpu.memory_space<vmem>> -> memref<1x100xi32, #tpu.memory_space<vmem>>
        %dma_start3A_208 = tpu.memref_squeeze %dma_start3A_207 : memref<1x100xi32, #tpu.memory_space<vmem>> -> memref<100xi32, #tpu.memory_space<vmem>>
        %dma_start3A_209 = arith.constant 0 : i32
        %dma_start3A_210 = arith.constant 0 : i32
        %dma_start3A_211 = tpu.memref_slice %arg2[%dma_start3A_209, %dma_start3A_210] : memref<10240x128xf32, #tpu.memory_space<hbm>> -> memref<10240x128xf32, #tpu.memory_space<hbm>>
        tpu.enqueue_indirect_dma source(%dma_start3A_211 : memref<10240x128xf32, #tpu.memory_space<hbm>>) target(%arg8 : memref<100x128xf32, #tpu.memory_space<vmem>>) offsets(%dma_start3A_208 : memref<100xi32, #tpu.memory_space<vmem>>) semaphore(%arg12 : memref<!tpu.dma_semaphore, #tpu.memory_space<semaphore_mem>>)
      }
      %scan3A_91 = arith.constant 16 : i32
      %dma_wait3A_92 = arith.constant 49 : i32
      %dma_wait3A_93 = arith.constant 0 : i32
      %dma_wait3A_94 = tpu.memref_slice %arg7[%dma_wait3A_92, %dma_wait3A_93] : memref<50x100xi32, #tpu.memory_space<vmem>> -> memref<1x100xi32, #tpu.memory_space<vmem>>
      %dma_wait3A_95 = tpu.memref_squeeze %dma_wait3A_94 : memref<1x100xi32, #tpu.memory_space<vmem>> -> memref<100xi32, #tpu.memory_space<vmem>>
      %dma_wait3A_96 = arith.constant 0 : i32
      %dma_wait3A_97 = arith.constant 0 : i32
      %dma_wait3A_98 = tpu.memref_slice %arg11[%dma_wait3A_96, %dma_wait3A_97] : memref<10240x128xf32, #tpu.memory_space<vmem_shared>> -> memref<10240x128xf32, #tpu.memory_space<vmem_shared>>
      tpu.wait_indirect_dma semaphore(%arg16 : memref<!tpu.dma_semaphore, #tpu.memory_space<semaphore_mem>>) src(%arg9 : memref<100x128xf32, #tpu.memory_space<vmem>>) dst(%dma_wait3A_98 : memref<10240x128xf32, #tpu.memory_space<vmem_shared>>)
      %dma_wait3A_99 = arith.constant 49 : i32
      %dma_wait3A_100 = arith.constant 0 : i32
      %dma_wait3A_101 = tpu.memref_slice %arg6[%dma_wait3A_99, %dma_wait3A_100] : memref<50x100xi32, #tpu.memory_space<vmem>> -> memref<1x100xi32, #tpu.memory_space<vmem>>
      %dma_wait3A_102 = tpu.memref_squeeze %dma_wait3A_101 : memref<1x100xi32, #tpu.memory_space<vmem>> -> memref<100xi32, #tpu.memory_space<vmem>>
      %dma_wait3A_103 = arith.constant 0 : i32
      %dma_wait3A_104 = arith.constant 0 : i32
      %dma_wait3A_105 = tpu.memref_slice %arg2[%dma_wait3A_103, %dma_wait3A_104] : memref<10240x128xf32, #tpu.memory_space<hbm>> -> memref<10240x128xf32, #tpu.memory_space<hbm>>
      tpu.wait_indirect_dma semaphore(%arg14 : memref<!tpu.dma_semaphore, #tpu.memory_space<semaphore_mem>>) src(%dma_wait3A_105 : memref<10240x128xf32, #tpu.memory_space<hbm>>) dst(%arg10 : memref<100x128xf32, #tpu.memory_space<vmem>>)
      %dma_wait3A_106 = arith.constant 49 : i32
      %dma_wait3A_107 = arith.constant 0 : i32
      %dma_wait3A_108 = tpu.memref_slice %arg6[%dma_wait3A_106, %dma_wait3A_107] : memref<50x100xi32, #tpu.memory_space<vmem>> -> memref<1x100xi32, #tpu.memory_space<vmem>>
      %dma_wait3A_109 = tpu.memref_squeeze %dma_wait3A_108 : memref<1x100xi32, #tpu.memory_space<vmem>> -> memref<100xi32, #tpu.memory_space<vmem>>
      %dma_wait3A_110 = arith.constant 0 : i32
      %dma_wait3A_111 = arith.constant 0 : i32
      %dma_wait3A_112 = tpu.memref_slice %arg2[%dma_wait3A_110, %dma_wait3A_111] : memref<10240x128xf32, #tpu.memory_space<hbm>> -> memref<10240x128xf32, #tpu.memory_space<hbm>>
      tpu.wait_indirect_dma semaphore(%arg12 : memref<!tpu.dma_semaphore, #tpu.memory_space<semaphore_mem>>) src(%dma_wait3A_112 : memref<10240x128xf32, #tpu.memory_space<hbm>>) dst(%arg8 : memref<100x128xf32, #tpu.memory_space<vmem>>)
    }
    %scan3A_22 = arith.constant 2 : i32
    %barrier3A_23 = arith.constant 0 : index
    tpu.barrier barrier_id(%barrier3A_23)
    "tpu.region"() ({
      %run_scoped3A = tpu.sem_alloc : memref<!tpu.dma_semaphore, #tpu.memory_space<semaphore_mem>>
      %dma_start3A = arith.constant 0 : i32
      %dma_start3A_24 = tpu.memref_slice %arg5[%arg0, %mul3A_8, %dma_start3A] : memref<2x10240x128xf32, #tpu.memory_space<hbm>> -> memref<1x640x128xf32, #tpu.memory_space<hbm>>
      %dma_start3A_25 = tpu.memref_squeeze %dma_start3A_24 : memref<1x640x128xf32, #tpu.memory_space<hbm>> -> memref<640x128xf32, #tpu.memory_space<hbm>>
      %dma_start3A_26 = arith.constant 0 : i32
      %dma_start3A_27 = tpu.memref_slice %arg11[%mul3A_8, %dma_start3A_26] : memref<10240x128xf32, #tpu.memory_space<vmem_shared>> -> memref<640x128xf32, #tpu.memory_space<vmem_shared>>
      tpu.enqueue_dma source(%dma_start3A_27 : memref<640x128xf32, #tpu.memory_space<vmem_shared>>) target(%dma_start3A_25 : memref<640x128xf32, #tpu.memory_space<hbm>>) target_semaphore(%run_scoped3A : memref<!tpu.dma_semaphore, #tpu.memory_space<semaphore_mem>>)
      %dma_wait3A = arith.constant 0 : i32
      %dma_wait3A_28 = tpu.memref_slice %arg5[%arg0, %mul3A_8, %dma_wait3A] : memref<2x10240x128xf32, #tpu.memory_space<hbm>> -> memref<1x640x128xf32, #tpu.memory_space<hbm>>
      %dma_wait3A_29 = tpu.memref_squeeze %dma_wait3A_28 : memref<1x640x128xf32, #tpu.memory_space<hbm>> -> memref<640x128xf32, #tpu.memory_space<hbm>>
      %dma_wait3A_30 = arith.constant 0 : i32
      %dma_wait3A_31 = tpu.memref_slice %arg11[%mul3A_8, %dma_wait3A_30] : memref<10240x128xf32, #tpu.memory_space<vmem_shared>> -> memref<640x128xf32, #tpu.memory_space<vmem_shared>>
      tpu.wait_dma2 semaphore(%run_scoped3A : memref<!tpu.dma_semaphore, #tpu.memory_space<semaphore_mem>>) src(%dma_wait3A_31 : memref<640x128xf32, #tpu.memory_space<vmem_shared>>) dst(%dma_wait3A_29 : memref<640x128xf32, #tpu.memory_space<hbm>>)
      tpu.yield
    }) : () -> ()
    return
  }
}

module attributes {stable_mosaic.version = 14 : i64} {
  func.func @body(%arg0: i32, %arg1: memref<5120x128xf32, #tpu.memory_space<vmem>>, %arg2: memref<128x128xf32, #tpu.memory_space<vmem>>, %arg3: memref<32x5120xf32, #tpu.memory_space<vmem>>, %arg4: memref<5120x128xf32, #tpu.memory_space<vmem>>) attributes {dimension_semantics = [#tpu.dimension_semantics<arbitrary>], iteration_bounds = array<i64: 2>, scalar_prefetch = 0 : i64, scratch_operands = 0 : i64, tpu.core_type = #tpu.core_type<tc>, window_params = [{transform_indices = @transform_0, window_bounds = array<i64: 5120, 128>}, {pipeline_mode = #tpu.pipeline_mode<synchronous>, transform_indices = @transform_1, window_bounds = array<i64: 128, 128>}, {transform_indices = @transform_2, window_bounds = array<i64: 32, 5120>}, {transform_indices = @transform_3, window_bounds = array<i64: 5120, 128>}]} {
    %get3A = arith.constant 0 : index
    %get3A_0 = arith.constant 0 : index
    %get3A_1 = vector.load %arg3[%get3A, %get3A_0] : memref<32x5120xf32, #tpu.memory_space<vmem>>, vector<32x5120xf32>
    %reduce_sum3A = arith.constant dense<0.000000e+00> : vector<5120xf32>
    %reduce_sum3A_2 = vector.multi_reduction <add>, %get3A_1, %reduce_sum3A [0] : vector<32x5120xf32> to vector<5120xf32>
    %add3A = arith.constant 1.000000e+00 : f32
    %add3A_3 = vector.broadcast %add3A : f32 to vector<5120xf32>
    %add3A_4 = arith.addf %reduce_sum3A_2, %add3A_3 : vector<5120xf32>
    %rsqrt3A = math.rsqrt %add3A_4 : vector<5120xf32>
    %get3A_5 = arith.constant 0 : index
    %get3A_6 = arith.constant 0 : index
    %get3A_7 = vector.load %arg1[%get3A_5, %get3A_6] : memref<5120x128xf32, #tpu.memory_space<vmem>>, vector<5120x128xf32>
    %get3A_8 = arith.constant 0 : index
    %get3A_9 = arith.constant 0 : index
    %get3A_10 = vector.load %arg2[%get3A_8, %get3A_9] : memref<128x128xf32, #tpu.memory_space<vmem>>, vector<128x128xf32>
    %dot_general3A = arith.constant dense<0.000000e+00> : vector<5120x128xf32>
    %dot_general3A_11 = tpu.matmul %get3A_7, %get3A_10, %dot_general3A {dimension_numbers = #tpu.dot_dimension_numbers<[1], [0], [0], [1], [0, 0, 1, 1], [], []>, transpose_lhs_hint = false} : vector<5120x128xf32>, vector<128x128xf32>, vector<5120x128xf32> -> vector<5120x128xf32>
    %broadcast_in_dim3A = vector.shape_cast %rsqrt3A : vector<5120xf32> to vector<5120x1xf32>
    %mul3A = vector.broadcast %broadcast_in_dim3A : vector<5120x1xf32> to vector<5120x128xf32>
    %mul3A_12 = arith.mulf %dot_general3A_11, %mul3A : vector<5120x128xf32>
    %swap3A = arith.constant 0 : index
    %swap3A_13 = arith.constant 0 : index
    %swap3A_14 = vector.load %arg4[%swap3A, %swap3A_13] : memref<5120x128xf32, #tpu.memory_space<vmem>>, vector<5120x128xf32>
    tpu.vector_store %arg4[%swap3A, %swap3A_13], %mul3A_12 {strides = array<i32>} : memref<5120x128xf32, #tpu.memory_space<vmem>>, vector<5120x128xf32>,
    return
  }
  func.func @transform_0(%arg0: i32) -> (i32, i32) {
    %c0_i32 = arith.constant 0 : i32
    %c0_i32_0 = arith.constant 0 : i32
    return %arg0, %c0_i32 : i32, i32
  }
  func.func @transform_1(%arg0: i32) -> (i32, i32) {
    %c0_i32 = arith.constant 0 : i32
    %c0_i32_0 = arith.constant 0 : i32
    %c0_i32_1 = arith.constant 0 : i32
    return %c0_i32, %c0_i32_0 : i32, i32
  }
  func.func @transform_2(%arg0: i32) -> (i32, i32) {
    %c0_i32 = arith.constant 0 : i32
    %c0_i32_0 = arith.constant 0 : i32
    return %c0_i32, %arg0 : i32, i32
  }
  func.func @transform_3(%arg0: i32) -> (i32, i32) {
    %c0_i32 = arith.constant 0 : i32
    %c0_i32_0 = arith.constant 0 : i32
    return %arg0, %c0_i32 : i32, i32
  }
}

module attributes {stable_mosaic.version = 14 : i64} {
  func.func @body(%arg0: i32, %arg1: memref<2x5120x128xf32, #tpu.memory_space<vmem>>, %arg2: memref<5120x128xf32, #tpu.memory_space<vmem>>, %arg3: memref<32x5120xf32, #tpu.memory_space<vmem>>, %arg4: memref<1x128xf32, #tpu.memory_space<vmem>>, %arg5: memref<128x128xf32, #tpu.memory_space<vmem>>, %arg6: memref<1x128xf32, #tpu.memory_space<vmem>>, %arg7: memref<5120x128xf32, #tpu.memory_space<vmem>>) attributes {dimension_semantics = [#tpu.dimension_semantics<arbitrary>], iteration_bounds = array<i64: 2>, scalar_prefetch = 0 : i64, scratch_operands = 0 : i64, tpu.core_type = #tpu.core_type<tc>, window_params = [{transform_indices = @transform_0, window_bounds = array<i64: 2, 5120, 128>}, {transform_indices = @transform_1, window_bounds = array<i64: 5120, 128>}, {transform_indices = @transform_2, window_bounds = array<i64: 32, 5120>}, {pipeline_mode = #tpu.pipeline_mode<synchronous>, transform_indices = @transform_3, window_bounds = array<i64: 1, 128>}, {pipeline_mode = #tpu.pipeline_mode<synchronous>, transform_indices = @transform_4, window_bounds = array<i64: 128, 128>}, {pipeline_mode = #tpu.pipeline_mode<synchronous>, transform_indices = @transform_5, window_bounds = array<i64: 1, 128>}, {transform_indices = @transform_6, window_bounds = array<i64: 5120, 128>}]} {
    %get3A = arith.constant 0 : index
    %get3A_0 = arith.constant 0 : index
    %get3A_1 = vector.load %arg3[%get3A, %get3A_0] : memref<32x5120xf32, #tpu.memory_space<vmem>>, vector<32x5120xf32>
    %reduce_sum3A = arith.constant dense<0.000000e+00> : vector<5120xf32>
    %reduce_sum3A_2 = vector.multi_reduction <add>, %get3A_1, %reduce_sum3A [0] : vector<32x5120xf32> to vector<5120xf32>
    %add3A = arith.constant 1.000000e+00 : f32
    %add3A_3 = vector.broadcast %add3A : f32 to vector<5120xf32>
    %add3A_4 = arith.addf %reduce_sum3A_2, %add3A_3 : vector<5120xf32>
    %rsqrt3A = math.rsqrt %add3A_4 : vector<5120xf32>
    %get3A_5 = arith.constant 0 : index
    %get3A_6 = arith.constant 0 : index
    %get3A_7 = arith.constant 0 : index
    %get3A_8 = vector.load %arg1[%get3A_5, %get3A_6, %get3A_7] : memref<2x5120x128xf32, #tpu.memory_space<vmem>>, vector<1x5120x128xf32>
    %get3A_9 = vector.shape_cast %get3A_8 : vector<1x5120x128xf32> to vector<5120x128xf32>
    %get3A_10 = arith.constant 1 : index
    %get3A_11 = arith.constant 0 : index
    %get3A_12 = arith.constant 0 : index
    %get3A_13 = vector.load %arg1[%get3A_10, %get3A_11, %get3A_12] : memref<2x5120x128xf32, #tpu.memory_space<vmem>>, vector<1x5120x128xf32>
    %get3A_14 = vector.shape_cast %get3A_13 : vector<1x5120x128xf32> to vector<5120x128xf32>
    %add3A_15 = arith.addf %get3A_9, %get3A_14 : vector<5120x128xf32>
    %get3A_16 = arith.constant 0 : index
    %get3A_17 = arith.constant 0 : index
    %get3A_18 = vector.load %arg2[%get3A_16, %get3A_17] : memref<5120x128xf32, #tpu.memory_space<vmem>>, vector<5120x128xf32>
    %add3A_19 = arith.addf %add3A_15, %get3A_18 : vector<5120x128xf32>
    %broadcast_in_dim3A = vector.shape_cast %rsqrt3A : vector<5120xf32> to vector<5120x1xf32>
    %mul3A = vector.broadcast %broadcast_in_dim3A : vector<5120x1xf32> to vector<5120x128xf32>
    %mul3A_20 = arith.mulf %add3A_19, %mul3A : vector<5120x128xf32>
    %get3A_21 = arith.constant 0 : index
    %get3A_22 = arith.constant 0 : index
    %get3A_23 = vector.load %arg4[%get3A_21, %get3A_22] : memref<1x128xf32, #tpu.memory_space<vmem>>, vector<1x128xf32>
    %add3A_24 = vector.broadcast %get3A_23 : vector<1x128xf32> to vector<5120x128xf32>
    %add3A_25 = arith.addf %mul3A_20, %add3A_24 : vector<5120x128xf32>
    %get3A_26 = arith.constant 0 : index
    %get3A_27 = arith.constant 0 : index
    %get3A_28 = vector.load %arg5[%get3A_26, %get3A_27] : memref<128x128xf32, #tpu.memory_space<vmem>>, vector<128x128xf32>
    %dot_general3A = arith.constant dense<0.000000e+00> : vector<5120x128xf32>
    %dot_general3A_29 = tpu.matmul %add3A_25, %get3A_28, %dot_general3A {dimension_numbers = #tpu.dot_dimension_numbers<[1], [0], [0], [1], [0, 0, 1, 1], [], []>, transpose_lhs_hint = false} : vector<5120x128xf32>, vector<128x128xf32>, vector<5120x128xf32> -> vector<5120x128xf32>
    %get3A_30 = arith.constant 0 : index
    %get3A_31 = arith.constant 0 : index
    %get3A_32 = vector.load %arg6[%get3A_30, %get3A_31] : memref<1x128xf32, #tpu.memory_space<vmem>>, vector<1x128xf32>
    %add3A_33 = vector.broadcast %get3A_32 : vector<1x128xf32> to vector<5120x128xf32>
    %add3A_34 = arith.addf %dot_general3A_29, %add3A_33 : vector<5120x128xf32>
    %swap3A = arith.constant 0 : index
    %swap3A_35 = arith.constant 0 : index
    %swap3A_36 = vector.load %arg7[%swap3A, %swap3A_35] : memref<5120x128xf32, #tpu.memory_space<vmem>>, vector<5120x128xf32>
    tpu.vector_store %arg7[%swap3A, %swap3A_35], %add3A_34 {strides = array<i32>} : memref<5120x128xf32, #tpu.memory_space<vmem>>, vector<5120x128xf32>,
    return
  }
  func.func @transform_0(%arg0: i32) -> (i32, i32, i32) {
    %c0_i32 = arith.constant 0 : i32
    %c0_i32_0 = arith.constant 0 : i32
    %c0_i32_1 = arith.constant 0 : i32
    return %c0_i32, %arg0, %c0_i32_0 : i32, i32, i32
  }
  func.func @transform_1(%arg0: i32) -> (i32, i32) {
    %c0_i32 = arith.constant 0 : i32
    %c0_i32_0 = arith.constant 0 : i32
    return %arg0, %c0_i32 : i32, i32
  }
  func.func @transform_2(%arg0: i32) -> (i32, i32) {
    %c0_i32 = arith.constant 0 : i32
    %c0_i32_0 = arith.constant 0 : i32
    return %c0_i32, %arg0 : i32, i32
  }
  func.func @transform_3(%arg0: i32) -> (i32, i32) {
    %c0_i32 = arith.constant 0 : i32
    %c0_i32_0 = arith.constant 0 : i32
    %c0_i32_1 = arith.constant 0 : i32
    return %c0_i32, %c0_i32_0 : i32, i32
  }
  func.func @transform_4(%arg0: i32) -> (i32, i32) {
    %c0_i32 = arith.constant 0 : i32
    %c0_i32_0 = arith.constant 0 : i32
    %c0_i32_1 = arith.constant 0 : i32
    return %c0_i32, %c0_i32_0 : i32, i32
  }
  func.func @transform_5(%arg0: i32) -> (i32, i32) {
    %c0_i32 = arith.constant 0 : i32
    %c0_i32_0 = arith.constant 0 : i32
    %c0_i32_1 = arith.constant 0 : i32
    return %c0_i32, %c0_i32_0 : i32, i32
  }
  func.func @transform_6(%arg0: i32) -> (i32, i32) {
    %c0_i32 = arith.constant 0 : i32
    %c0_i32_0 = arith.constant 0 : i32
    return %arg0, %c0_i32 : i32, i32
  }
}

</mosaic_0001>

<sc_bundles>
// kernel: kernel.6.cloned.1.call-start
scs
__scs_entry_jumppad:
0x0: {  	(pc) =	sbr.rel $0x88, $3  }
0x1: {  	(tag) =	ssettag $0x0;
	lr =	simm.s32 $0x1  }
0x2: {  	[smem:$0x3F9B] =	sst lr;
	_ =	strace $0xD0000000  }
0x3: {  	_ = 	snop  }
0x4: {  	_ = 	snop  }
0x5: {  	_ = 	snop  }
0x6: {  	_ = 	snop  }
0x7: {  	_ = 	snop  }
__scs_overlays_trampoline_lowered:
0x8: {  	[smem:$0x3FAA] =	sst s0  }
0x9: {  	[smem:$0x3FAB] =	sst s1  }
0xa: {  	[smem:$0x3FAC] =	sst s2  }
0xb: {  	[smem:$0x3FAD] =	sst s3  }
0xc: {  	[smem:$0x3FAE] =	sst s4  }
0xd: {  	[smem:$0x3FAF] =	sst s5  }
0xe: {  	[smem:$0x3FB0] =	sst s6  }
0xf: {  	[smem:$0x3FB1] =	sst s7  }
0x10: {  	[smem:$0x3FB2] =	sst s8  }
0x11: {  	[smem:$0x3FB3] =	sst s9;
	s0 =	simm.s32 @!p0 $0x0  }
0x12: {  	s1 =	sld [smem:$0x3F99];
	s0 =	simm.s32 @p0 $0x1  }
0x13: {  	[smem:$0x3FB4] =	sst s0;
	s0 =	simm.s32 @!p1 $0x0  }
0x14: {  	s2 =	sld [smem:$0x3F98];
	s0 =	simm.s32 @p1 $0x1  }
0x15: {  	[smem:$0x3FB5] =	sst s0;
	s0 =	simm.s32 @!p2 $0x0  }
0x16: {  	s3 =	sld [smem:$0x3FDB];
	s0 =	simm.s32 @p2 $0x1  }
0x17: {  	s4 =	simm.s32 $0x1BF5;
	[smem:$0x3FB7] =	sst s0  }
0x18: {  	s0 =	sld [smem:$0x3F9A];
	_ =	swait.ge [sflag:s4], $0x0  }
0x19: {  	s7 =	sld [smem:$0x3F9B]  }
0x1a: {  	s8 =	sadd.s32 $0xFFFFE003, lr  }
0x1b: {  	s9 =	sadd.s32 $0xFFFFFEF7, lr;
	s5 =	simm.s32 $0xFFFFFFFF;
	p2 =	slt.u32 s8, $0xFFFFF086  }
0x1c: {  	p1 =	slt.u32 s9, $0xF7A;
	s5 =	simm.s32 @!p2 $0x0  }
0x1d: {  	s5 =	simm.s32 @p1 $0x1;
	p0 =	seq.s32 s7, s2  }
0x1e: {  	s7 =	smul.u32 @!p0 $0xF7A, s2;
	p2 =	seq.s32 @!p0 s5, $0x0  }
0x1f: {  	s9 =	smul.u32 $0xF7A, s1;
	s8 =	simm.s32 @!p0 $0x1BF5;
	p2 =	por !p2, p0  }
0x20: {  	[sflag:s8] =	ssyncset.s32 @!p0 $0xFFFFF086;
	s6 =	sadd.s32 @!p0 s3, s7;
	s7 =	simm.s32 @!p0 $0x108  }
0x21: {  	s3 =	sadd.s32 s3, s9;
	s6 =	sadd.s32 @!p0 $0x88, s6;
	s7 =	simm.s32 @p2 $0x1082  }
0x22: {  	[simem:s7], [sflag:s8] =	dma.local @!p0 [hbm:s6], $0xF7A  }
0x23: {  	s9 =	sor.u32 $0xD0000000, s2;
	s6 =	simm.s32 $0x108;
	_ =	swait.ge @!p0 [sflag:s8], $0x0  }
0x24: {  	s3 =	sadd.s32 $0x88, s3;
	s6 =	simm.s32 @!p1 $0x1082;
	[sflag:s4] =	ssyncset.s32 $0xFFFFF086  }
0x25: {  	[simem:s6], [sflag:s4] =	dma.local [hbm:s3], $0xF7A  }
0x26: {  	[smem:$0x3F9B] =	sst s1;
	(tag) =	ssettag s2;
	_ =	strace s9  }
0x27: {  	s1 =	sld [smem:$0x3FAB]  }
0x28: {  	s2 =	sld [smem:$0x3FAC]  }
0x29: {  	s4 =	sld [smem:$0x3FAE]  }
0x2a: {  	p0 =	seq.s32 s5, $0x0;
	s5 =	sld [smem:$0x3FAF]  }
0x2b: {  	s6 =	sld [smem:$0x3FB0]  }
0x2c: {  	s7 =	sld [smem:$0x3FB1]  }
0x2d: {  	s3 =	simm.s32 $0x108;
	s8 =	sld [smem:$0x3FB2]  }
0x2e: {  	s3 =	simm.s32 @!p0 $0x1082;
	s9 =	sld [smem:$0x3FB3]  }
0x2f: {  	lr =	sadd.s32 s0, s3;
	s0 =	sld [smem:$0x3FAA]  }
0x30: {  	s3 =	sld [smem:$0x3FAD]  }
0x31: {  	[smem:$0x3FB6] =	sst s10  }
0x32: {  	s10 =	sld [smem:$0x3FB4];
	_ =	sdelay $0x3  }
0x33: {  	p0 =	seq.s32 s10, $0x1;
	s10 =	sld [smem:$0x3FB6];
	_ =	sdelay $0x3  }
0x34: {  	[smem:$0x3FB6] =	sst s10  }
0x35: {  	s10 =	sld [smem:$0x3FB5];
	_ =	sdelay $0x3  }
0x36: {  	p1 =	seq.s32 s10, $0x1;
	s10 =	sld [smem:$0x3FB6];
	_ =	sdelay $0x3  }
0x37: {  	[smem:$0x3FB6] =	sst s10  }
0x38: {  	s10 =	sld [smem:$0x3FB7]  }
0x39: {  	_ = 	snop;
	(pc) =	sbr.ind lr, $3  }
0x3a: {  	_ = 	snop  }
0x3b: {  	_ = 	snop  }
0x3c: {  	p2 =	seq.s32 s10, $0x1;
	s10 =	sld [smem:$0x3FB6]  }
0x3d: {  	_ =	shalt  }
0x3e: {  	_ =	shalt  }
0x3f: {  	_ =	shalt  }
0x40: {  	_ =	shalt  }
0x41: {  	_ =	shalt  }
0x42: {  	_ =	shalt  }
0x43: {  	_ =	shalt  }
0x44: {  	_ =	shalt  }
0x45: {  	_ =	shalt  }
0x46: {  	_ =	shalt  }
0x47: {  	_ =	shalt  }
0x48: {  	_ =	shalt  }
0x49: {  	_ =	shalt  }
0x4a: {  	_ =	shalt  }
0x4b: {  	_ =	shalt  }
0x4c: {  	_ =	shalt  }
0x4d: {  	_ =	shalt  }
0x4e: {  	_ =	shalt  }
0x4f: {  	_ =	shalt  }
0x50: {  	_ =	shalt  }
0x51: {  	_ =	shalt  }
0x52: {  	_ =	shalt  }
0x53: {  	_ =	shalt  }
0x54: {  	_ =	shalt  }
0x55: {  	_ =	shalt  }
0x56: {  	_ =	shalt  }
0x57: {  	_ =	shalt  }
0x58: {  	_ =	shalt  }
0x59: {  	_ =	shalt  }
0x5a: {  	_ =	shalt  }
0x5b: {  	_ =	shalt  }
0x5c: {  	_ =	shalt  }
0x5d: {  	_ =	shalt  }
0x5e: {  	_ =	shalt  }
0x5f: {  	_ =	shalt  }
0x60: {  	_ =	shalt  }
0x61: {  	_ =	shalt  }
0x62: {  	_ =	shalt  }
0x63: {  	_ =	shalt  }
0x64: {  	_ =	shalt  }
0x65: {  	_ =	shalt  }
0x66: {  	_ =	shalt  }
0x67: {  	_ =	shalt  }
0x68: {  	_ =	shalt  }
0x69: {  	_ =	shalt  }
0x6a: {  	_ =	shalt  }
0x6b: {  	_ =	shalt  }
0x6c: {  	_ =	shalt  }
0x6d: {  	_ =	shalt  }
0x6e: {  	_ =	shalt  }
0x6f: {  	_ =	shalt  }
0x70: {  	_ =	shalt  }
0x71: {  	_ =	shalt  }
0x72: {  	_ =	shalt  }
0x73: {  	_ =	shalt  }
0x74: {  	_ =	shalt  }
0x75: {  	_ =	shalt  }
0x76: {  	_ =	shalt  }
0x77: {  	_ =	shalt  }
0x78: {  	_ =	shalt  }
0x79: {  	_ =	shalt  }
0x7a: {  	_ =	shalt  }
0x7b: {  	_ =	shalt  }
0x7c: {  	_ =	shalt  }
0x7d: {  	_ =	shalt  }
0x7e: {  	_ =	shalt  }
0x7f: {  	_ =	shalt  }
0x80: {  	_ =	shalt  }
0x81: {  	_ =	shalt  }
0x82: {  	_ =	shalt  }
0x83: {  	_ =	shalt  }
0x84: {  	_ =	shalt  }
0x85: {  	_ =	shalt  }
0x86: {  	_ =	shalt  }
0x87: {  	_ =	shalt  }
.Lfunc_end0:
.L_simem_size_0:
called_computation_lowered:
.L_overlay_start_0:
0x88: {  	s2 =	sld [smem:$0x3FD9]  }
0x89: {  	s3 =	sld [smem:$0x3FFE];
	_ =	sdelay $0x1  }
0x8a: {  	s1 =	srdreg.scid  }
0x8b: {  	s0 =	sand.u32 $0x1, s1  }
0x8c: {  	s16 =	sshll.u32 s0, $0xA;
	s2 =	sadd.s32 s3, s2  }
0x8d: {  	s2 =	sadd.s32 s2, s16  }
0x8e: {  	[smem:$0x3FC2] =	sst s2  }
0x8f: {  	_ = 	snop  }
0x90: {  	(tm) =	ssettm $0x1  }
0x91: {  	s17 =	sld [smem:$0x3FFB];
	_ =	sdelay $0x3  }
0x92: {  	_ =	strace s17  }
0x93: {  	s2 =	sld [smem:$0x3FFC];
	_ =	sdelay $0x3  }
0x94: {  	_ =	strace s2  }
0x95: {  	s2 =	sld [smem:$0x3FFD];
	_ =	sdelay $0x3  }
0x96: {  	_ =	strace s2  }
0x97: {  	_ =	strace $0x8FFFFFFF  }
0x98: {  	s18 =	sld [smem:$0x3FDB];
	_ =	sdelay $0x1  }
0x99: {  	s19 =	simm.s32 $_scs_section_size  }
0x9a: {  	s4 =	simm.s32 $_size__tile_overlayer_lowered;
	s5 =	simm.s32 $_tile_overlayer_lowered  }
0x9b: {  	s22 =	simm.s32 $0x1BFF;
	s21 =	sshll.u32 s5, $0x1;
	s2 =	sadd.s32 s19, s18  }
0x9c: {  	s6 =	simm.s32 $0x0;
	s20 =	sshll.u32 s4, $0x1;
	s4 =	sadd.s32 s21, s2  }
0x9d: {  	[timem:s6], [sflag:s22] =	dma.local [hbm:s4], s20  }
0x9e: {  	_ =	swait.ge [sflag:s22], s20  }
0x9f: {  	s3 =	ssub.s32 $0x0, s20;
	[sflag:s22] =	ssyncset.done $0x0  }
0xa0: {  	[sflag:s22] =	ssyncadd.s32 s3;
	_ =	sdelay $0x1  }
0xa1: {  	s23 =	simm.s32 $0x1B8B  }
0xa2: {  	_ =	swait.ge [sflag:s23], $0x1  }
0xa3: {  	[sflag:s23] =	ssyncset.done $0x0  }
0xa4: {  	s25 =	simm.s32 $0x1B8E;
	s24 =	sld [smem:$0x3FFE];
	[sflag:s23] =	ssyncadd.s32 $0xFFFFFFFF  }
0xa5: {  	s26 =	simm.s32 $execute0_lowered;
	[smem:$0x3FD2] =	sst s25  }
0xa6: {  	s4 =	sshll.u32 s26, $0x1;
	_ =	strace $0x80000046;
	[dreg:$0x1] =	wrdreg $0xFFFFFFFF  }
0xa7: {  	s28 =	simm.s32 $_size_execute0_lowered;
	s2 =	sadd.s32 s2, s4;
	[dreg:$0x0] =	wrdreg $0x0  }
0xa8: {  	s4 =	sshll.u32 s28, $0x1;
	[dreg:$0x2] =	wrdreg s2  }
0xa9: {  	[dreg:$0x3] =	wrdreg s4  }
0xaa: {  	[dreg:$0x4] =	wrdreg $0xC0  }
0xab: {  	_ =	task [dreg:s6], $0x5FFFF  }
0xac: {  	[dreg:$0x1] =	wrdreg $0xFFFFFFFF  }
0xad: {  	[dreg:$0x0] =	wrdreg $0x60  }
0xae: {  	[dreg:$0x2] =	wrdreg s24  }
0xaf: {  	[dreg:$0x3] =	wrdreg $0x9  }
0xb0: {  	_ =	task.clear_ibuf [dreg:s6], $0x4FFFF;
	_ =	strace $0x90000046  }
0xb1: {  	s29 =	simm.s32 $0x9;
	_ =	strace $0x80000048  }
0xb2: {  	_ =	swait.ge [sflag:s29], $0x1  }
0xb3: {  	[sflag:s29] =	ssyncadd.s32 $0xFFFFFFFF  }
0xb4: {  	_ =	strace $0x90000048  }
0xb5: {  	_ =	sfence  }
0xb6: {  	s30 =	sld [smem:$0x0];
	_ =	sdelay $0x2  }
0xb7: {  	s31 =	sshll.u32 s1, $0xD;
	s1 =	sshrl.u32 s1, $0x2  }
0xb8: {  	s3 =	sand.u32 $0x4000, s31;
	s1 =	sadd.s32 s1, s30  }
0xb9: {  	s0 =	sor.u32 s3, s0;
	s1 =	sshll.u32 s1, $0x11  }
0xba: {  	s0 =	sor.u32 s1, s0  }
0xbb: {  	s0 =	sadd.s32 $0x8F2B, s0  }
0xbc: {  	[sflag:s0] =	ssyncadd.remote.s32 $0x1  }
0xbd: {  	_ =	sfence.sel $0xFFFF  }
0xbe: {  	[dreg:$0x0] =	wrdreg $0xFFFFFFFF;
	(pc) =	sbr.abs _section_cstart, $3  }
0xbf: {  	[dreg:$0x1] =	wrdreg $0xFFFFFFFF  }
0xc0: {  	_ =	task.clear_ibuf [dreg:s6], $0x2FFFF;
	_ =	strace $0x9FFFFFFF  }
0xc1: {  	(tm) =	ssettm $0x7FFFFFFF  }
tec
execute0_lowered:
.L_overlay_start_1:
0x0: {  	(tag) =	ssettag $0x1  }
0x1: {  	s0 =	srdreg.scid  }
0x2: {  	s3 =	sand.u32 $0x1, s0  }
0x3: {  	s4 =	rddreg [dreg:$0x0];
	s0 =	stileid.u32;
	s1 =	sshll.u32 s3, $0x4  }
0x4: {  	s2 =	simm.s32 $0x0;
	s8 =	simm.s32 $0x0;
	s5 =	sor.u32 s0, s1  }
0x5: {  	[smem:$0x7FF] =	sst s2;
	s3 =	ssub.s32 $0x2, s3;
	s6 =	smul.u32 $0x4E2, s5  }
0x6: {  	s1 =	rddreg [dreg:$0x1];
	s7 =	sshrl.u32 s3, $0x1;
	s5 =	smul.u32 $0x500, s5  }
0x7: {  	_ =	strace $0x80000047;
	s31 =	ssub.s32 s3, s7;
	s7 =	simm.s32 $0x2710  }
0x8: {  	s6 =	sadd.s32 s6, s4;
	s4 =	sadd.s32 s5, s4;
	s5 =	smax.u32 s31, $0x1  }
0x9: {  	v0 =	vimm.f32 $0.0e+00;
	v1 =	vimm.f32 $1.000000000e+00;
	s3 =	sadd.s32 $0x1E00, s6;
	s4 =	sadd.s32 $0xBC00, s4;
	s6 =	simm.s32 $0x1  }
.LBB2_1:
0xa: {  	s9 =	simm.s32 $0x40;
	s10 =	simm.s32 $0x0  }
.LBB2_2:
0xb: {  	p0 =	sne.s32 s9, $0x9FC0;
	[tilespmem:s10+$0x2710] =	vst v0;
	s10 =	smov.u32 s9;
	s9 =	sadd.s32 $0x40, s9  }
.Ltmp0:
0xc: {  	(pc) =	sbr.rel @p0 .LBB2_2-.Ltmp0, $2  }
0xd: {  	_ =	sdelay $0x2  }
0xe: {  	s10 =	sshra.s32 s10, $0x2  }
0xf: {  	[tilespmem:s10+$0x2710] =	vst v0;
	s9 =	simm.s32 $0x0  }
0x10: {  	[tilespmem:s9], [sflag:$0x1] =	stream.linear.gather [hbm4b:s3+s9], $0x2710, $0x38;
	[tilespmem:$0x4F10] =	vst v63  }
0x11: {  	_ =	swait.ge [sflag:s6], $0x2710  }
0x12: {  	[sflag:s6] =	ssyncset.done $0x0  }
0x13: {  	s10 =	simm.s32 $0x0;
	s9 =	simm.s32 $0x40;
	[sflag:s6] =	ssyncadd.s32 $0xFFFFD8F0  }
.LBB2_4:
0x14: {  	p0 =	sne.s32 s9, $0x9C00;
	v2 =	vld [tilespmem:s10+$0x0];
	_ =	sdelay $0x3  }
.Ltmp1:
0x15: {  	(pc) =	sbr.rel @p0 .LBB2_4-.Ltmp1, $2  }
0x16: {  	_ =	sdelay $0x2  }
0x17: {  	s10 =	sshra.s32 s9, $0x2;
	s9 =	sadd.s32 $0x40, s9;
	[tilespmem:v2+s7+$0x0] =	vst.idx.add.f32.msk $0xffff, v1  }
0x18: {  	v2 =	vld [tilespmem:s10+$0x0];
	_ =	sdelay $0x5  }
0x19: {  	s8 =	sadd.s32 $0x1, s8  }
0x1a: {  	p0 =	sne.s32 s8, s5  }
.Ltmp2:
0x1b: {  	[tilespmem:v2+s7+$0x0] =	vst.idx.add.f32.msk $0xffff, v1;
	(pc) =	sbr.rel @p0 .LBB2_1-.Ltmp2, $4  }
0x1c: {  	[hbm4b:s4+s2] =	stream.linear.scatter [tilespmem:s7], [sflag:$0x1], $0x2800, $0x38;
	[tilespmem:$0x4F10] =	vst v63  }
0x1d: {  	_ =	swait.ge [sflag:s6], $0x2800  }
0x1e: {  	[sflag:s6] =	ssyncset.done $0x0  }
0x1f: {  	[sflag:s6] =	ssyncadd.s32 $0xFFFFD800  }
0x20: {  	_ =	sfence.sel $0x180000  }
0x21: {  	[bflag:$0x0] =	sbarrier.arrive $0xFFFF  }
0x22: {  	p0 =	sne.s32 s0, $0x0;
	_ =	strace $0x90000047  }
0x23: {  	s0 =	sadd.s32 @!p0 $0x100000, s1;
	[bflag:$0x2] =	sbarrier.arrive $0xFFFF  }
0x24: {  	[sflag:s0] =	ssyncadd.tile.s32 @!p0 $0x1;
	_ =	shalt  }
.Lfunc_end2:
_tile_overlayer_lowered:
.L_overlay_start_2:
0x25: {  	(tag) =	ssettag $0x2  }
0x26: {  	s0 =	rddreg [dreg:$0x0];
	s2 =	stileid.u32  }
0x27: {  	s1 =	rddreg [dreg:$0x1];
	p0 =	sne.s32 s2, $0x0  }
0x28: {  	s3 =	rddreg [dreg:$0x2];
	[bflag:$0x3] =	sbarrier.arrive $0xFFFF;
	s2 =	simm.s32 @!p0 $0x1C01  }
0x29: {  	[timem:s3], [sflag:s2] =	dma.local @!p0 [hbm:s0], s1  }
0x2a: {  	s0 =	simm.s32 @!p0 $0x1  }
0x2b: {  	_ =	swait.ge @!p0 [sflag:s0], s1  }
0x2c: {  	s1 =	ssub.s32 @!p0 $0x0, s1;
	[sflag:s0] =	ssyncset.done @!p0 $0x0  }
0x2d: {  	[sflag:s0] =	ssyncadd.s32 @!p0 s1  }
0x2e: {  	[bflag:$0x3] =	sbarrier.arrive $0xFFFF  }
0x2f: {  	_ =	shalt  }

// kernel: kernel.9.cloned.1.call-start
scs
__scs_entry_jumppad:
0x0: {  	(pc) =	sbr.rel $0x88, $3  }
0x1: {  	(tag) =	ssettag $0x0;
	lr =	simm.s32 $0x1  }
0x2: {  	[smem:$0x3F9B] =	sst lr;
	_ =	strace $0xD0000000  }
0x3: {  	_ = 	snop  }
0x4: {  	_ = 	snop  }
0x5: {  	_ = 	snop  }
0x6: {  	_ = 	snop  }
0x7: {  	_ = 	snop  }
__scs_overlays_trampoline_lowered:
0x8: {  	[smem:$0x3FAA] =	sst s0  }
0x9: {  	[smem:$0x3FAB] =	sst s1  }
0xa: {  	[smem:$0x3FAC] =	sst s2  }
0xb: {  	[smem:$0x3FAD] =	sst s3  }
0xc: {  	[smem:$0x3FAE] =	sst s4  }
0xd: {  	[smem:$0x3FAF] =	sst s5  }
0xe: {  	[smem:$0x3FB0] =	sst s6  }
0xf: {  	[smem:$0x3FB1] =	sst s7  }
0x10: {  	[smem:$0x3FB2] =	sst s8  }
0x11: {  	[smem:$0x3FB3] =	sst s9;
	s0 =	simm.s32 @!p0 $0x0  }
0x12: {  	s1 =	sld [smem:$0x3F99];
	s0 =	simm.s32 @p0 $0x1  }
0x13: {  	[smem:$0x3FB4] =	sst s0;
	s0 =	simm.s32 @!p1 $0x0  }
0x14: {  	s2 =	sld [smem:$0x3F98];
	s0 =	simm.s32 @p1 $0x1  }
0x15: {  	[smem:$0x3FB5] =	sst s0;
	s0 =	simm.s32 @!p2 $0x0  }
0x16: {  	s3 =	sld [smem:$0x3FDB];
	s0 =	simm.s32 @p2 $0x1  }
0x17: {  	s4 =	simm.s32 $0x1BF5;
	[smem:$0x3FB7] =	sst s0  }
0x18: {  	s0 =	sld [smem:$0x3F9A];
	_ =	swait.ge [sflag:s4], $0x0  }
0x19: {  	s7 =	sld [smem:$0x3F9B]  }
0x1a: {  	s8 =	sadd.s32 $0xFFFFE003, lr  }
0x1b: {  	s9 =	sadd.s32 $0xFFFFFEF7, lr;
	s5 =	simm.s32 $0xFFFFFFFF;
	p2 =	slt.u32 s8, $0xFFFFF086  }
0x1c: {  	p1 =	slt.u32 s9, $0xF7A;
	s5 =	simm.s32 @!p2 $0x0  }
0x1d: {  	s5 =	simm.s32 @p1 $0x1;
	p0 =	seq.s32 s7, s2  }
0x1e: {  	s7 =	smul.u32 @!p0 $0xF7A, s2;
	p2 =	seq.s32 @!p0 s5, $0x0  }
0x1f: {  	s9 =	smul.u32 $0xF7A, s1;
	s8 =	simm.s32 @!p0 $0x1BF5;
	p2 =	por !p2, p0  }
0x20: {  	[sflag:s8] =	ssyncset.s32 @!p0 $0xFFFFF086;
	s6 =	sadd.s32 @!p0 s3, s7;
	s7 =	simm.s32 @!p0 $0x108  }
0x21: {  	s3 =	sadd.s32 s3, s9;
	s6 =	sadd.s32 @!p0 $0x88, s6;
	s7 =	simm.s32 @p2 $0x1082  }
0x22: {  	[simem:s7], [sflag:s8] =	dma.local @!p0 [hbm:s6], $0xF7A  }
0x23: {  	s9 =	sor.u32 $0xD0000000, s2;
	s6 =	simm.s32 $0x108;
	_ =	swait.ge @!p0 [sflag:s8], $0x0  }
0x24: {  	s3 =	sadd.s32 $0x88, s3;
	s6 =	simm.s32 @!p1 $0x1082;
	[sflag:s4] =	ssyncset.s32 $0xFFFFF086  }
0x25: {  	[simem:s6], [sflag:s4] =	dma.local [hbm:s3], $0xF7A  }
0x26: {  	[smem:$0x3F9B] =	sst s1;
	(tag) =	ssettag s2;
	_ =	strace s9  }
0x27: {  	s1 =	sld [smem:$0x3FAB]  }
0x28: {  	s2 =	sld [smem:$0x3FAC]  }
0x29: {  	s4 =	sld [smem:$0x3FAE]  }
0x2a: {  	p0 =	seq.s32 s5, $0x0;
	s5 =	sld [smem:$0x3FAF]  }
0x2b: {  	s6 =	sld [smem:$0x3FB0]  }
0x2c: {  	s7 =	sld [smem:$0x3FB1]  }
0x2d: {  	s3 =	simm.s32 $0x108;
	s8 =	sld [smem:$0x3FB2]  }
0x2e: {  	s3 =	simm.s32 @!p0 $0x1082;
	s9 =	sld [smem:$0x3FB3]  }
0x2f: {  	lr =	sadd.s32 s0, s3;
	s0 =	sld [smem:$0x3FAA]  }
0x30: {  	s3 =	sld [smem:$0x3FAD]  }
0x31: {  	[smem:$0x3FB6] =	sst s10  }
0x32: {  	s10 =	sld [smem:$0x3FB4];
	_ =	sdelay $0x3  }
0x33: {  	p0 =	seq.s32 s10, $0x1;
	s10 =	sld [smem:$0x3FB6];
	_ =	sdelay $0x3  }
0x34: {  	[smem:$0x3FB6] =	sst s10  }
0x35: {  	s10 =	sld [smem:$0x3FB5];
	_ =	sdelay $0x3  }
0x36: {  	p1 =	seq.s32 s10, $0x1;
	s10 =	sld [smem:$0x3FB6];
	_ =	sdelay $0x3  }
0x37: {  	[smem:$0x3FB6] =	sst s10  }
0x38: {  	s10 =	sld [smem:$0x3FB7]  }
0x39: {  	_ = 	snop;
	(pc) =	sbr.ind lr, $3  }
0x3a: {  	_ = 	snop  }
0x3b: {  	_ = 	snop  }
0x3c: {  	p2 =	seq.s32 s10, $0x1;
	s10 =	sld [smem:$0x3FB6]  }
0x3d: {  	_ =	shalt  }
0x3e: {  	_ =	shalt  }
0x3f: {  	_ =	shalt  }
0x40: {  	_ =	shalt  }
0x41: {  	_ =	shalt  }
0x42: {  	_ =	shalt  }
0x43: {  	_ =	shalt  }
0x44: {  	_ =	shalt  }
0x45: {  	_ =	shalt  }
0x46: {  	_ =	shalt  }
0x47: {  	_ =	shalt  }
0x48: {  	_ =	shalt  }
0x49: {  	_ =	shalt  }
0x4a: {  	_ =	shalt  }
0x4b: {  	_ =	shalt  }
0x4c: {  	_ =	shalt  }
0x4d: {  	_ =	shalt  }
0x4e: {  	_ =	shalt  }
0x4f: {  	_ =	shalt  }
0x50: {  	_ =	shalt  }
0x51: {  	_ =	shalt  }
0x52: {  	_ =	shalt  }
0x53: {  	_ =	shalt  }
0x54: {  	_ =	shalt  }
0x55: {  	_ =	shalt  }
0x56: {  	_ =	shalt  }
0x57: {  	_ =	shalt  }
0x58: {  	_ =	shalt  }
0x59: {  	_ =	shalt  }
0x5a: {  	_ =	shalt  }
0x5b: {  	_ =	shalt  }
0x5c: {  	_ =	shalt  }
0x5d: {  	_ =	shalt  }
0x5e: {  	_ =	shalt  }
0x5f: {  	_ =	shalt  }
0x60: {  	_ =	shalt  }
0x61: {  	_ =	shalt  }
0x62: {  	_ =	shalt  }
0x63: {  	_ =	shalt  }
0x64: {  	_ =	shalt  }
0x65: {  	_ =	shalt  }
0x66: {  	_ =	shalt  }
0x67: {  	_ =	shalt  }
0x68: {  	_ =	shalt  }
0x69: {  	_ =	shalt  }
0x6a: {  	_ =	shalt  }
0x6b: {  	_ =	shalt  }
0x6c: {  	_ =	shalt  }
0x6d: {  	_ =	shalt  }
0x6e: {  	_ =	shalt  }
0x6f: {  	_ =	shalt  }
0x70: {  	_ =	shalt  }
0x71: {  	_ =	shalt  }
0x72: {  	_ =	shalt  }
0x73: {  	_ =	shalt  }
0x74: {  	_ =	shalt  }
0x75: {  	_ =	shalt  }
0x76: {  	_ =	shalt  }
0x77: {  	_ =	shalt  }
0x78: {  	_ =	shalt  }
0x79: {  	_ =	shalt  }
0x7a: {  	_ =	shalt  }
0x7b: {  	_ =	shalt  }
0x7c: {  	_ =	shalt  }
0x7d: {  	_ =	shalt  }
0x7e: {  	_ =	shalt  }
0x7f: {  	_ =	shalt  }
0x80: {  	_ =	shalt  }
0x81: {  	_ =	shalt  }
0x82: {  	_ =	shalt  }
0x83: {  	_ =	shalt  }
0x84: {  	_ =	shalt  }
0x85: {  	_ =	shalt  }
0x86: {  	_ =	shalt  }
0x87: {  	_ =	shalt  }
.Lfunc_end0:
.L_simem_size_0:
called_computation.1_lowered:
.L_overlay_start_0:
0x88: {  	s2 =	sld [smem:$0x3FD9]  }
0x89: {  	s3 =	sld [smem:$0x3FFE];
	_ =	sdelay $0x1  }
0x8a: {  	s1 =	srdreg.scid  }
0x8b: {  	s0 =	sand.u32 $0x1, s1  }
0x8c: {  	s17 =	sshll.u32 s0, $0xA;
	s2 =	sadd.s32 s3, s2  }
0x8d: {  	s2 =	sadd.s32 s2, s17  }
0x8e: {  	[smem:$0x3FC2] =	sst s2  }
0x8f: {  	_ = 	snop  }
0x90: {  	s2 =	sld [smem:$0x3FD0];
	(tm) =	ssettm $0x1  }
0x91: {  	s18 =	sld [smem:$0x3FFB];
	_ =	sdelay $0x3  }
0x92: {  	_ =	strace s18  }
0x93: {  	s3 =	sld [smem:$0x3FFC];
	_ =	sdelay $0x3  }
0x94: {  	_ =	strace s3  }
0x95: {  	s3 =	sld [smem:$0x3FFD];
	_ =	sdelay $0x3  }
0x96: {  	_ =	strace s3  }
0x97: {  	_ =	strace $0x8FFFFFFF  }
0x98: {  	s19 =	sld [smem:$0x3FDB];
	_ =	sdelay $0x1  }
0x99: {  	s4 =	simm.s32 $_scs_section_size  }
0x9a: {  	s5 =	simm.s32 $_size__tile_overlayer_lowered;
	s6 =	simm.s32 $_tile_overlayer_lowered  }
0x9b: {  	s22 =	simm.s32 $0x1BFF;
	s21 =	sshll.u32 s6, $0x1;
	s3 =	sadd.s32 s4, s19  }
0x9c: {  	s7 =	simm.s32 $0x0;
	s20 =	sshll.u32 s5, $0x1;
	s5 =	sadd.s32 s21, s3  }
0x9d: {  	[timem:s7], [sflag:s22] =	dma.local [hbm:s5], s20  }
0x9e: {  	_ =	swait.ge [sflag:s22], s20  }
0x9f: {  	s4 =	ssub.s32 $0x0, s20;
	[sflag:s22] =	ssyncset.done $0x0  }
0xa0: {  	[sflag:s22] =	ssyncadd.s32 s4;
	_ =	sdelay $0x1  }
0xa1: {  	s23 =	simm.s32 $0x1B8B  }
0xa2: {  	_ =	swait.ge [sflag:s23], $0x1  }
0xa3: {  	[sflag:s23] =	ssyncset.done $0x0  }
0xa4: {  	s25 =	simm.s32 $0x1B8E;
	s24 =	sld [smem:$0x3FFE];
	[sflag:s23] =	ssyncadd.s32 $0xFFFFFFFF  }
0xa5: {  	s26 =	simm.s32 $execute0_lowered;
	[smem:$0x3FD2] =	sst s25  }
0xa6: {  	s5 =	sshll.u32 s26, $0x1;
	_ =	strace $0x80000049;
	[dreg:$0x1] =	wrdreg $0xFFFFFFFF  }
0xa7: {  	s28 =	simm.s32 $_size_execute0_lowered;
	s3 =	sadd.s32 s3, s5;
	[dreg:$0x0] =	wrdreg $0x0  }
0xa8: {  	s5 =	sshll.u32 s28, $0x1;
	[dreg:$0x2] =	wrdreg s3  }
0xa9: {  	[dreg:$0x3] =	wrdreg s5  }
0xaa: {  	[dreg:$0x4] =	wrdreg $0xC0  }
0xab: {  	_ =	task [dreg:s7], $0x5FFFF  }
0xac: {  	[dreg:$0x1] =	wrdreg $0xFFFFFFFF  }
0xad: {  	[dreg:$0x0] =	wrdreg $0x60  }
0xae: {  	[dreg:$0x2] =	wrdreg s24  }
0xaf: {  	[dreg:$0x3] =	wrdreg s2  }
0xb0: {  	[dreg:$0x4] =	wrdreg $0xBEA00  }
0xb1: {  	[dreg:$0x5] =	wrdreg $0x9  }
0xb2: {  	_ =	task.clear_ibuf [dreg:s7], $0x6FFFF;
	_ =	strace $0x90000049  }
0xb3: {  	s29 =	simm.s32 $0x9;
	_ =	strace $0x8000004B  }
0xb4: {  	_ =	swait.ge [sflag:s29], $0x1  }
0xb5: {  	[sflag:s29] =	ssyncadd.s32 $0xFFFFFFFF  }
0xb6: {  	_ =	strace $0x9000004B  }
0xb7: {  	_ =	sfence  }
0xb8: {  	s30 =	sld [smem:$0x0];
	_ =	sdelay $0x2  }
0xb9: {  	s31 =	sshll.u32 s1, $0xD;
	s1 =	sshrl.u32 s1, $0x2  }
0xba: {  	s3 =	sand.u32 $0x4000, s31;
	s1 =	sadd.s32 s1, s30  }
0xbb: {  	s0 =	sor.u32 s3, s0;
	s1 =	sshll.u32 s1, $0x11  }
0xbc: {  	s0 =	sor.u32 s1, s0  }
0xbd: {  	s0 =	sadd.s32 $0x8F2B, s0  }
0xbe: {  	[sflag:s0] =	ssyncadd.remote.s32 $0x1  }
0xbf: {  	_ =	sfence.sel $0xFFFF  }
0xc0: {  	[dreg:$0x0] =	wrdreg $0xFFFFFFFF;
	(pc) =	sbr.abs _section_cstart, $3  }
0xc1: {  	[dreg:$0x1] =	wrdreg $0xFFFFFFFF  }
0xc2: {  	_ =	task.clear_ibuf [dreg:s7], $0x2FFFF;
	_ =	strace $0x9FFFFFFF  }
0xc3: {  	(tm) =	ssettm $0x7FFFFFFF  }
tec
execute0_lowered:
.L_overlay_start_1:
0x0: {  	(tag) =	ssettag $0x1  }
0x1: {  	s0 =	rddreg [dreg:$0x0]  }
0x2: {  	s2 =	rddreg [dreg:$0x1]  }
0x3: {  	s1 =	srdreg.scid;
	s3 =	rddreg [dreg:$0x2]  }
0x4: {  	s11 =	stileid.u32;
	s4 =	simm.s32 $0x0;
	s17 =	simm.s32 $0x28A0  }
0x5: {  	s18 =	simm.s32 $0x7;
	s19 =	simm.s32 $0x1450;
	s20 =	simm.s32 $0x64  }
0x6: {  	s28 =	simm.s32 $0x2;
	s29 =	simm.s32 $0x14B8;
	s30 =	simm.s32 $0x4  }
0x7: {  	s31 =	simm.s32 $0x138;
	s12 =	simm.s32 $0x27D0;
	s8 =	smul.u32 $0x14000, s11  }
0x8: {  	s1 =	sand.u32 $0x1, s1;
	[smem:$0x7FF] =	sst s4;
	s9 =	smul.u32 $0x50000, s11  }
0x9: {  	s6 =	sadd.s32 $0x15C00, s0;
	s5 =	smul.u32 $0x140000, s1;
	_ =	strace $0x8000004A  }
0xa: {  	s10 =	ssub.s32 $0x2, s1;
	s1 =	sshll.u32 s1, $0x4;
	s13 =	sshrl.u32 s9, $0x2  }
0xb: {  	s14 =	sshrl.u32 s10, $0x1;
	s1 =	sor.u32 s11, s1;
	s7 =	sadd.s32 s8, s5  }
0xc: {  	s5 =	sadd.s32 $0x20000, s0;
	s10 =	ssub.s32 s10, s14;
	s7 =	sshrl.u32 s7, $0x3  }
0xd: {  	s21 =	smax.u32 s10, $0x1;
	s0 =	sadd.s32 s7, s0;
	s7 =	sadd.s32 s13, s3  }
0xe: {  	s16 =	sadd.s32 s8, s3;
	[dreg:$0x6] =	wrdreg s21;
	s15 =	sadd.s32 $0x12C00, s7  }
0xf: {  	s11 =	simm.s32 $0x13E8;
	s0 =	sadd.s32 $0x48000, s0;
	[dreg:$0x4] =	wrdreg s15  }
0x10: {  	s9 =	smul.u32 $0x28A0, s1;
	s22 =	sadd.s32 $0x3200, s7;
	[dreg:$0x5] =	wrdreg s0  }
0x11: {  	s1 =	simm.s32 $0x5;
	s23 =	sadd.s32 $0x6400, s7;
	[dreg:$0x7] =	wrdreg s22  }
0x12: {  	s8 =	simm.s32 $0x6;
	s24 =	sadd.s32 $0x9600, s7;
	[dreg:$0x8] =	wrdreg s23  }
0x13: {  	s10 =	simm.s32 $0x2768;
	s25 =	sadd.s32 $0xC800, s7;
	[dreg:$0x9] =	wrdreg s24  }
0x14: {  	s21 =	simm.s32 $0x68;
	s26 =	sadd.s32 $0xFA00, s7;
	[dreg:$0xa] =	wrdreg s25  }
0x15: {  	s13 =	simm.s32 $0x2838;
	[dreg:$0xb] =	wrdreg s26;
	s22 =	simm.s32 $0x5AA0  }
0x16: {  	s23 =	simm.s32 $0xD0;
	s24 =	simm.s32 $0x8CA0;
	s0 =	sshrl.u32 s16, $0x3  }
0x17: {  	v0 =	vimm.f32 $0.0e+00;
	s26 =	simm.s32 $0x1;
	[dreg:$0xc] =	wrdreg s0;
	s0 =	simm.s32 $0x3  }
.LBB2_1:
0x18: {  	s14 =	simm.s32 $0x70;
	s15 =	simm.s32 $0x3C0  }
.LBB2_2:
0x19: {  	p0 =	sne.s32 s15, $0xC7C0;
	[tilespmem:s14+$0x28A0] =	vst v0  }
0x1a: {  	[tilespmem:s14+$0x2830] =	vst v0  }
0x1b: {  	[tilespmem:s14+$0x2840] =	vst v0  }
.Ltmp0:
0x1c: {  	[tilespmem:s14+$0x2850] =	vst v0;
	(pc) =	sbr.rel @p0 .LBB2_2-.Ltmp0, $4  }
0x1d: {  	[tilespmem:s14+$0x2860] =	vst v0  }
0x1e: {  	[tilespmem:s14+$0x2870] =	vst v0  }
0x1f: {  	[tilespmem:s14+$0x2880] =	vst v0  }
0x20: {  	[tilespmem:s14+$0x2890] =	vst v0;
	s14 =	sshra.s32 s15, $0x2;
	s15 =	sadd.s32 $0x200, s15  }
0x21: {  	[tilespmem:s14+$0x28A0] =	vst v0  }
0x22: {  	[tilespmem:s14+$0x2830] =	vst v0  }
0x23: {  	[tilespmem:s14+$0x2840] =	vst v0  }
0x24: {  	[tilespmem:s14+$0x2850] =	vst v0  }
0x25: {  	[tilespmem:s14+$0x2860] =	vst v0  }
0x26: {  	[tilespmem:s14+$0x2870] =	vst v0  }
0x27: {  	[tilespmem:s14+$0x2880] =	vst v0  }
0x28: {  	[tilespmem:s14+$0x2890] =	vst v0  }
0x29: {  	[spmem:s7] =	stream.linear.scatter [tilespmem:s17], [sflag:$0x7], $0x3200, $0x38;
	[tilespmem:$0x1FEA0] =	vst v63  }
0x2a: {  	_ =	swait.ge [sflag:s18], $0x3200  }
0x2b: {  	[sflag:s18] =	ssyncset.done $0x0  }
0x2c: {  	s15 =	rddreg [dreg:$0x7];
	[sflag:s18] =	ssyncadd.s32 $0xFFFFCE00  }
0x2d: {  	[spmem:s15] =	stream.linear.scatter [tilespmem:s17], [sflag:$0x7], $0x3200, $0x38;
	[tilespmem:$0x1FEA0] =	vst v63  }
0x2e: {  	_ =	swait.ge [sflag:s18], $0x3200  }
0x2f: {  	[sflag:s18] =	ssyncset.done $0x0  }
0x30: {  	s16 =	rddreg [dreg:$0x8];
	[sflag:s18] =	ssyncadd.s32 $0xFFFFCE00  }
0x31: {  	[spmem:s16] =	stream.linear.scatter [tilespmem:s17], [sflag:$0x7], $0x3200, $0x38;
	[tilespmem:$0x1FEA0] =	vst v63  }
0x32: {  	_ =	swait.ge [sflag:s18], $0x3200  }
0x33: {  	[sflag:s18] =	ssyncset.done $0x0  }
0x34: {  	s25 =	rddreg [dreg:$0x9];
	[sflag:s18] =	ssyncadd.s32 $0xFFFFCE00  }
0x35: {  	[spmem:s25] =	stream.linear.scatter [tilespmem:s17], [sflag:$0x7], $0x3200, $0x38;
	[tilespmem:$0x1FEA0] =	vst v63  }
0x36: {  	_ =	swait.ge [sflag:s18], $0x3200  }
0x37: {  	[sflag:s18] =	ssyncset.done $0x0  }
0x38: {  	s15 =	rddreg [dreg:$0xa];
	[sflag:s18] =	ssyncadd.s32 $0xFFFFCE00  }
0x39: {  	[spmem:s15] =	stream.linear.scatter [tilespmem:s17], [sflag:$0x7], $0x3200, $0x38;
	[tilespmem:$0x1FEA0] =	vst v63  }
0x3a: {  	_ =	swait.ge [sflag:s18], $0x3200  }
0x3b: {  	[sflag:s18] =	ssyncset.done $0x0  }
0x3c: {  	s16 =	rddreg [dreg:$0xb];
	[sflag:s18] =	ssyncadd.s32 $0xFFFFCE00  }
0x3d: {  	[spmem:s16] =	stream.linear.scatter [tilespmem:s17], [sflag:$0x7], $0x3200, $0x38;
	[tilespmem:$0x1FEA0] =	vst v63  }
0x3e: {  	_ =	swait.ge [sflag:s18], $0x3200  }
0x3f: {  	[sflag:s18] =	ssyncset.done $0x0  }
0x40: {  	s25 =	rddreg [dreg:$0x4];
	[sflag:s18] =	ssyncadd.s32 $0xFFFFCE00  }
0x41: {  	[spmem:s25] =	stream.linear.scatter [tilespmem:s17], [sflag:$0x7], $0x1400, $0x38;
	[tilespmem:$0x1FEA0] =	vst v63  }
0x42: {  	_ =	swait.ge [sflag:s18], $0x1400  }
0x43: {  	[sflag:s18] =	ssyncset.done $0x0  }
0x44: {  	s14 =	simm.s32 $0x0;
	[sflag:s18] =	ssyncadd.s32 $0xFFFFEC00  }
0x45: {  	p1 =	por $0x1, $0x1;
	s15 =	simm.s32 $0x0;
	[bflag:$0x0] =	sbarrier.arrive $0xFFFF  }
.LBB2_4:
0x46: {  	s15 =	sadd.s32 s9, s15  }
0x47: {  	s15 =	sshrl.u32 s15, $0x3  }
0x48: {  	s16 =	sadd.s32 s2, s15  }
0x49: {  	[tilespmem:s14], [sflag:$0x7] =	stream.linear.gather [hbm4b:s16+s14], $0x1450, $0x38;
	[tilespmem:$0x1FEA0] =	vst v63  }
0x4a: {  	_ =	swait.ge [sflag:s18], $0x1450  }
0x4b: {  	[sflag:s18] =	ssyncset.done $0x0  }
0x4c: {  	s15 =	sadd.s32 s6, s15;
	[sflag:s18] =	ssyncadd.s32 $0xFFFFEBB0  }
0x4d: {  	[tilespmem:s19], [sflag:$0x7] =	stream.linear.gather [hbm4b:s15+s14], $0x1450, $0x38;
	[tilespmem:$0x1FEA0] =	vst v63  }
0x4e: {  	_ =	swait.ge [sflag:s18], $0x1450  }
0x4f: {  	[sflag:s18] =	ssyncset.done $0x0  }
0x50: {  	[sflag:s18] =	ssyncadd.s32 $0xFFFFEBB0  }
0x51: {  	[tilespmem:s17], [sflag:$0x1] =	stream.indirect.gather [hbm4b:s5+s20], $0x80, s14, s20, $0xb8;
	[tilespmem:$0x1FEA0] =	vst v63  }
0x52: {  	_ = 	snop  }
0x53: {  	[tilespmem:s22], [sflag:$0x2] =	stream.indirect.gather [hbm4b:s5+s20], $0x80, s21, s20, $0xb8;
	[tilespmem:$0x1FEA0] =	vst v63  }
0x54: {  	_ = 	snop  }
0x55: {  	[tilespmem:s24], [sflag:$0x3] =	stream.indirect.gather [hbm4b:s5+s20], $0x80, s23, s20, $0xb8;
	[tilespmem:$0x1FEA0] =	vst v63  }
0x56: {  	_ =	swait.ge [sflag:s26], $0x3200  }
0x57: {  	[sflag:s26] =	ssyncset.done $0x0  }
0x58: {  	[sflag:s26] =	ssyncadd.s32 $0xFFFFCE00  }
0x59: {  	[spmem:s3] =	stream.indirect.scatter.add.f32 [tilespmem:s17], [sflag:$0x4], $0x80, s19, s20, $0xb8;
	[tilespmem:$0x1FEA0] =	vst v63  }
0x5a: {  	_ =	swait.ge [sflag:s28], $0x3200  }
0x5b: {  	[sflag:s28] =	ssyncset.done $0x0  }
0x5c: {  	[sflag:s28] =	ssyncadd.s32 $0xFFFFCE00  }
0x5d: {  	[spmem:s3] =	stream.indirect.scatter.add.f32 [tilespmem:s22], [sflag:$0x5], $0x80, s29, s20, $0xb8;
	[tilespmem:$0x1FEA0] =	vst v63  }
0x5e: {  	_ =	swait.ge [sflag:s30], $0x3200  }
0x5f: {  	[sflag:s30] =	ssyncset.done $0x0  }
0x60: {  	[sflag:s30] =	ssyncadd.s32 $0xFFFFCE00  }
0x61: {  	[tilespmem:s17], [sflag:$0x1] =	stream.indirect.gather [hbm4b:s5+s20], $0x80, s31, s20, $0xb8;
	[tilespmem:$0x1FEA0] =	vst v63  }
0x62: {  	_ =	swait.ge [sflag:s0], $0x3200  }
0x63: {  	[sflag:s0] =	ssyncset.done $0x0  }
0x64: {  	s25 =	simm.s32 $0x1520;
	[sflag:s0] =	ssyncadd.s32 $0xFFFFCE00  }
0x65: {  	[spmem:s3] =	stream.indirect.scatter.add.f32 [tilespmem:s24], [sflag:$0x6], $0x80, s25, s20, $0xb8;
	[tilespmem:$0x1FEA0] =	vst v63  }
0x66: {  	_ =	swait.ge [sflag:s1], $0x3200  }
0x67: {  	[sflag:s1] =	ssyncset.done $0x0  }
0x68: {  	s16 =	simm.s32 $0x1A0;
	[sflag:s1] =	ssyncadd.s32 $0xFFFFCE00  }
0x69: {  	[tilespmem:s22], [sflag:$0x2] =	stream.indirect.gather [hbm4b:s5+s20], $0x80, s16, s20, $0xb8;
	[tilespmem:$0x1FEA0] =	vst v63  }
0x6a: {  	_ =	swait.ge [sflag:s26], $0x3200  }
0x6b: {  	[sflag:s26] =	ssyncset.done $0x0  }
0x6c: {  	s25 =	simm.s32 $0x1588;
	[sflag:s26] =	ssyncadd.s32 $0xFFFFCE00  }
0x6d: {  	[spmem:s3] =	stream.indirect.scatter.add.f32 [tilespmem:s17], [sflag:$0x4], $0x80, s25, s20, $0xb8;
	[tilespmem:$0x1FEA0] =	vst v63  }
0x6e: {  	_ =	swait.ge [sflag:s8], $0x3200  }
0x6f: {  	[sflag:s8] =	ssyncset.done $0x0  }
0x70: {  	s16 =	simm.s32 $0x208;
	[sflag:s8] =	ssyncadd.s32 $0xFFFFCE00  }
0x71: {  	[tilespmem:s24], [sflag:$0x3] =	stream.indirect.gather [hbm4b:s5+s20], $0x80, s16, s20, $0xb8;
	[tilespmem:$0x1FEA0] =	vst v63  }
0x72: {  	_ =	swait.ge [sflag:s28], $0x3200  }
0x73: {  	[sflag:s28] =	ssyncset.done $0x0  }
0x74: {  	s25 =	simm.s32 $0x15F0;
	[sflag:s28] =	ssyncadd.s32 $0xFFFFCE00  }
0x75: {  	[spmem:s3] =	stream.indirect.scatter.add.f32 [tilespmem:s22], [sflag:$0x5], $0x80, s25, s20, $0xb8;
	[tilespmem:$0x1FEA0] =	vst v63  }
0x76: {  	_ =	swait.ge [sflag:s30], $0x3200  }
0x77: {  	p0 =	por p1, p1;
	[sflag:s30] =	ssyncset.done $0x0  }
0x78: {  	s15 =	simm.s32 $0x4E0;
	s16 =	simm.s32 $0x270;
	[sflag:s30] =	ssyncadd.s32 $0xFFFFCE00  }
.LBB2_5:
0x79: {  	[tilespmem:s17], [sflag:$0x1] =	stream.indirect.gather [hbm4b:s5+s20], $0x80, s16, s20, $0xb8;
	[tilespmem:$0x1FEA0] =	vst v63  }
0x7a: {  	s16 =	smov.u32 s15  }
0x7b: {  	p1 =	sne.s32 s15, $0x4440;
	s15 =	sadd.s32 $0x4E0, s15;
	_ =	swait.ge [sflag:s0], $0x3200  }
0x7c: {  	s16 =	sshra.s32 s16, $0x2;
	[sflag:s0] =	ssyncset.done $0x0  }
0x7d: {  	s25 =	sadd.s32 $0x1520, s16;
	[sflag:s0] =	ssyncadd.s32 $0xFFFFCE00  }
0x7e: {  	[spmem:s3] =	stream.indirect.scatter.add.f32 [tilespmem:s24], [sflag:$0x6], $0x80, s25, s20, $0xb8;
	[tilespmem:$0x1FEA0] =	vst v63  }
0x7f: {  	_ =	swait.ge [sflag:s1], $0x3200  }
0x80: {  	[sflag:s1] =	ssyncset.done $0x0  }
0x81: {  	s25 =	sadd.s32 $0x1A0, s16;
	[sflag:s1] =	ssyncadd.s32 $0xFFFFCE00  }
0x82: {  	[tilespmem:s22], [sflag:$0x2] =	stream.indirect.gather [hbm4b:s5+s20], $0x80, s25, s20, $0xb8;
	[tilespmem:$0x1FEA0] =	vst v63  }
0x83: {  	_ =	swait.ge [sflag:s26], $0x3200  }
0x84: {  	[sflag:s26] =	ssyncset.done $0x0  }
0x85: {  	s25 =	sadd.s32 $0x1588, s16;
	[sflag:s26] =	ssyncadd.s32 $0xFFFFCE00  }
0x86: {  	[spmem:s3] =	stream.indirect.scatter.add.f32 [tilespmem:s17], [sflag:$0x4], $0x80, s25, s20, $0xb8;
	[tilespmem:$0x1FEA0] =	vst v63  }
0x87: {  	_ =	swait.ge [sflag:s8], $0x3200  }
0x88: {  	[sflag:s8] =	ssyncset.done $0x0  }
0x89: {  	s25 =	sadd.s32 $0x208, s16;
	[sflag:s8] =	ssyncadd.s32 $0xFFFFCE00  }
0x8a: {  	[tilespmem:s24], [sflag:$0x3] =	stream.indirect.gather [hbm4b:s5+s20], $0x80, s25, s20, $0xb8;
	[tilespmem:$0x1FEA0] =	vst v63  }
0x8b: {  	_ =	swait.ge [sflag:s28], $0x3200  }
0x8c: {  	[sflag:s28] =	ssyncset.done $0x0  }
.Ltmp1:
0x8d: {  	s25 =	sadd.s32 $0x15F0, s16;
	[sflag:s28] =	ssyncadd.s32 $0xFFFFCE00;
	(pc) =	sbr.rel @p1 .LBB2_5-.Ltmp1, $4  }
0x8e: {  	[spmem:s3] =	stream.indirect.scatter.add.f32 [tilespmem:s22], [sflag:$0x5], $0x80, s25, s20, $0xb8;
	[tilespmem:$0x1FEA0] =	vst v63  }
0x8f: {  	_ =	swait.ge [sflag:s30], $0x3200  }
0x90: {  	[sflag:s30] =	ssyncset.done $0x0  }
0x91: {  	s16 =	sadd.s32 $0x270, s16;
	[sflag:s30] =	ssyncadd.s32 $0xFFFFCE00  }
0x92: {  	[tilespmem:s17], [sflag:$0x1] =	stream.indirect.gather [hbm4b:s5+s20], $0x80, s16, s20, $0xb8;
	[tilespmem:$0x1FEA0] =	vst v63  }
0x93: {  	_ =	swait.ge [sflag:s0], $0x3200  }
0x94: {  	[sflag:s0] =	ssyncset.done $0x0  }
0x95: {  	[sflag:s0] =	ssyncadd.s32 $0xFFFFCE00  }
0x96: {  	[spmem:s3] =	stream.indirect.scatter.add.f32 [tilespmem:s24], [sflag:$0x6], $0x80, s10, s20, $0xb8;
	[tilespmem:$0x1FEA0] =	vst v63  }
0x97: {  	_ =	swait.ge [sflag:s1], $0x3200  }
0x98: {  	[sflag:s1] =	ssyncset.done $0x0  }
0x99: {  	[sflag:s1] =	ssyncadd.s32 $0xFFFFCE00  }
0x9a: {  	[tilespmem:s22], [sflag:$0x2] =	stream.indirect.gather [hbm4b:s5+s20], $0x80, s11, s20, $0xb8;
	[tilespmem:$0x1FEA0] =	vst v63  }
0x9b: {  	_ =	swait.ge [sflag:s26], $0x3200  }
0x9c: {  	[sflag:s26] =	ssyncset.done $0x0  }
0x9d: {  	[sflag:s26] =	ssyncadd.s32 $0xFFFFCE00  }
0x9e: {  	[spmem:s3] =	stream.indirect.scatter.add.f32 [tilespmem:s17], [sflag:$0x4], $0x80, s12, s20, $0xb8;
	[tilespmem:$0x1FEA0] =	vst v63  }
0x9f: {  	_ =	swait.ge [sflag:s8], $0x3200  }
0xa0: {  	[sflag:s8] =	ssyncset.done $0x0  }
0xa1: {  	[sflag:s8] =	ssyncadd.s32 $0xFFFFCE00  }
0xa2: {  	[tilespmem:s24], [sflag:$0x3] =	stream.indirect.gather [hbm4b:s5+s20], $0x80, s11, s20, $0xb8;
	[tilespmem:$0x1FEA0] =	vst v63  }
0xa3: {  	_ =	swait.ge [sflag:s28], $0x3200  }
0xa4: {  	[sflag:s28] =	ssyncset.done $0x0  }
0xa5: {  	[sflag:s28] =	ssyncadd.s32 $0xFFFFCE00  }
0xa6: {  	[spmem:s3] =	stream.indirect.scatter.add.f32 [tilespmem:s22], [sflag:$0x5], $0x80, s13, s20, $0xb8;
	[tilespmem:$0x1FEA0] =	vst v63  }
0xa7: {  	_ =	swait.ge [sflag:s30], $0x3200  }
0xa8: {  	[sflag:s30] =	ssyncset.done $0x0  }
0xa9: {  	[sflag:s30] =	ssyncadd.s32 $0xFFFFCE00  }
0xaa: {  	[tilespmem:s17], [sflag:$0x1] =	stream.indirect.gather [hbm4b:s5+s20], $0x80, s11, s20, $0xb8;
	[tilespmem:$0x1FEA0] =	vst v63  }
0xab: {  	_ =	swait.ge [sflag:s1], $0x3200  }
0xac: {  	[sflag:s1] =	ssyncset.done $0x0  }
0xad: {  	[sflag:s1] =	ssyncadd.s32 $0xFFFFCE00  }
0xae: {  	_ =	swait.ge [sflag:s0], $0x3200  }
.Ltmp2:
0xaf: {  	[sflag:s0] =	ssyncset.done $0x0;
	(pc) =	sbr.rel @p0 .LBB2_4-.Ltmp2, $4  }
0xb0: {  	[sflag:s0] =	ssyncadd.s32 $0xFFFFCE00  }
0xb1: {  	_ =	swait.ge [sflag:s26], $0x3200  }
0xb2: {  	[sflag:s26] =	ssyncset.done $0x0  }
0xb3: {  	s15 =	simm.s32 $0x1450;
	p1 =	por $0x0, $0x0;
	[sflag:s26] =	ssyncadd.s32 $0xFFFFCE00  }
0xb4: {  	s14 =	stileid.u32;
	[bflag:$0x0] =	sbarrier.arrive $0xFFFF  }
0xb5: {  	s14 =	sshll.u32 s14, $0x6;
	s15 =	rddreg [dreg:$0x5]  }
0xb6: {  	s16 =	rddreg [dreg:$0xc];
	s14 =	sor.u32 $0x1C07, s14  }
0xb7: {  	[hbm:s15], [sflag:s14] =	dma.local [spmem:s16], $0x2800  }
0xb8: {  	_ =	swait.ge [sflag:s18], $0x2800  }
0xb9: {  	s4 =	sadd.s32 $0x1, s4;
	s25 =	rddreg [dreg:$0x6]  }
0xba: {  	p0 =	sne.s32 s4, s25  }
.Ltmp3:
0xbb: {  	_ = 	snop;
	(pc) =	sbr.rel @p0 .LBB2_1-.Ltmp3, $3  }
0xbc: {  	_ =	sdelay $0x1  }
0xbd: {  	[sflag:s18] =	ssyncset.done $0x0  }
0xbe: {  	[sflag:s18] =	ssyncadd.s32 $0xFFFFD800  }
0xbf: {  	_ =	sfence.sel $0x180000  }
0xc0: {  	[bflag:$0x0] =	sbarrier.arrive $0xFFFF  }
0xc1: {  	_ =	strace $0x9000004A  }
0xc2: {  	s0 =	stileid.u32;
	[bflag:$0x2] =	sbarrier.arrive $0xFFFF  }
0xc3: {  	p0 =	sne.s32 s0, $0x0;
	s0 =	rddreg [dreg:$0x3]  }
0xc4: {  	s0 =	sadd.s32 @!p0 $0x100000, s0  }
0xc5: {  	[sflag:s0] =	ssyncadd.tile.s32 @!p0 $0x1;
	_ =	shalt  }
.Lfunc_end2:
_tile_overlayer_lowered:
.L_overlay_start_2:
0xc6: {  	(tag) =	ssettag $0x2  }
0xc7: {  	s0 =	rddreg [dreg:$0x0];
	s2 =	stileid.u32  }
0xc8: {  	s1 =	rddreg [dreg:$0x1];
	p0 =	sne.s32 s2, $0x0  }
0xc9: {  	s3 =	rddreg [dreg:$0x2];
	[bflag:$0x3] =	sbarrier.arrive $0xFFFF;
	s2 =	simm.s32 @!p0 $0x1C07  }
0xca: {  	[timem:s3], [sflag:s2] =	dma.local @!p0 [hbm:s0], s1  }
0xcb: {  	s0 =	simm.s32 @!p0 $0x7  }
0xcc: {  	_ =	swait.ge @!p0 [sflag:s0], s1  }
0xcd: {  	s1 =	ssub.s32 @!p0 $0x0, s1;
	[sflag:s0] =	ssyncset.done @!p0 $0x0  }
0xce: {  	[sflag:s0] =	ssyncadd.s32 @!p0 s1  }
0xcf: {  	[bflag:$0x3] =	sbarrier.arrive $0xFFFF  }
0xd0: {  	_ =	shalt  }

</sc_bundles>
